<compile_context>
chip_gen: v7x
topology: tpu7x:2x2x1
jax: 0.10.2.dev20260603
libtpu: 0.0.44.dev20260713+nightly
codegen_flags: <defaults>
</compile_context>

<pallas_src>
import functools

import jax
import jax.numpy as jnp
from jax import lax
from jax.experimental import pallas as pl
from jax.experimental.pallas import tpu as pltpu
from jax.experimental.pallas import tpu_sc as plsc

_TB = 512
_CHUNK = 4096
_LANES = 128


def _dist_argmin_kernel(z_ref, cb_ref, c2_ref, idx_ref, loss_ref,
                        mm_a, mm_b):
    pid = pl.program_id(0)
    tb, d = z_ref.shape
    kc = cb_ref.shape[0]
    zb = z_ref[...]
    zb2 = zb * 2.0
    z2 = jnp.sum(zb * zb, axis=1, keepdims=True)

    @pl.when(pid == 0)
    def _():
        loss_ref[...] = jnp.zeros((1, 1), jnp.float32)

    mm_refs = (mm_a, mm_b)
    for c in range(kc // _CHUNK):
        cb_chunk = cb_ref[c * _CHUNK:(c + 1) * _CHUNK, :]
        mm_refs[c][...] = jax.lax.dot_general(
            zb2, cb_chunk, (((1,), (1,)), ((), ())),
            preferred_element_type=jnp.float32)

    rv = jnp.full((tb, _LANES), jnp.inf, jnp.float32)
    ri = jnp.zeros((tb, _LANES), jnp.float32)
    for s in range(kc // _LANES):
        mm_ref = mm_refs[(s * _LANES) // _CHUNK]
        col = (s * _LANES) % _CHUNK
        c2s = c2_ref[:, s * _LANES:(s + 1) * _LANES]
        dist = (z2 + c2s) - mm_ref[:, col:col + _LANES]
        cmp = dist < rv
        rv = jnp.where(cmp, dist, rv)
        ri = jnp.where(cmp, jnp.float32(s), ri)

    lane_f = jax.lax.broadcasted_iota(
        jnp.int32, (tb, _LANES), 1).astype(jnp.float32)
    ig = ri * jnp.float32(_LANES) + lane_f
    cval = jnp.min(rv, axis=1, keepdims=True)
    cand = jnp.where(rv == cval, ig, jnp.float32(2 ** 24))
    cidx = jnp.min(cand, axis=1, keepdims=True)

    idx_ref[...] = cidx.astype(jnp.int32)
    loss_ref[...] += jnp.sum(cval).reshape(1, 1)

    @pl.when(pid == pl.num_programs(0) - 1)
    def _():
        ntok_total = pl.num_programs(0) * tb
        m = loss_ref[...] / jnp.float32(ntok_total * d)
        loss_ref[...] = m + 0.25 * m


def kernel(z, codebook):
    b, l, d = z.shape
    kc = codebook.shape[0]
    ntok = b * l
    flat_z = z.reshape(-1, d)
    c2 = jnp.sum(codebook ** 2, axis=-1, keepdims=True).T
    idx_flat, loss = pl.pallas_call(
        _dist_argmin_kernel,
        grid=(ntok // _TB,),
        in_specs=[
            pl.BlockSpec((_TB, d), lambda i: (i, 0)),
            pl.BlockSpec((kc, d), lambda i: (0, 0)),
            pl.BlockSpec((1, kc), lambda i: (0, 0)),
        ],
        out_specs=[
            pl.BlockSpec((_TB, 1), lambda i: (i, 0)),
            pl.BlockSpec((1, 1), lambda i: (0, 0)),
        ],
        out_shape=[
            jax.ShapeDtypeStruct((ntok, 1), jnp.int32),
            jax.ShapeDtypeStruct((1, 1), jnp.float32),
        ],
        scratch_shapes=[
            pltpu.VMEM((_TB, _CHUNK), jnp.float32),
            pltpu.VMEM((_TB, _CHUNK), jnp.float32),
        ],
    )(flat_z, codebook, c2)
    idx_flat = idx_flat.reshape(-1)
    cb_padded = jnp.pad(codebook, ((0, 0), (0, 128 - d)))
    qst = _sc_gather_st(ntok, d)(cb_padded, idx_flat, flat_z)
    return qst.reshape(b, l, d), idx_flat.reshape(b, l), loss[0, 0]


@functools.lru_cache(maxsize=None)
def _sc_gather_st(ntok, d):
    info = plsc.get_sparse_core_info()
    nc, ns, lanes = info.num_cores, info.num_subcores, info.num_lanes
    nw = nc * ns
    bpw = ntok // nw
    assert ntok % (8 * nw) == 0 and d % lanes == 0
    mesh = plsc.VectorSubcoreMesh(core_axis_name="c", subcore_axis_name="s")

    @functools.partial(
        pl.kernel, mesh=mesh,
        out_type=jax.ShapeDtypeStruct((ntok, d), jnp.float32),
        scratch_types=[
            pltpu.VMEM((bpw,), jnp.int32),
            pltpu.VMEM((bpw, 128), jnp.float32),
            pltpu.VMEM((bpw, d), jnp.float32),
            pltpu.SemaphoreType.DMA,
        ],
    )
    def k(cb_hbm, idx_hbm, z_hbm, out_hbm, idx_v, wide_v, z_v, sem):
        wid = lax.axis_index("s") * nc + lax.axis_index("c")
        base = wid * bpw
        pltpu.sync_copy(idx_hbm.at[pl.ds(base, bpw)], idx_v)
        gather = pltpu.async_copy(cb_hbm.at[idx_v], wide_v, sem)
        pltpu.sync_copy(z_hbm.at[pl.ds(base, bpw)], z_v)
        gather.wait()

        def row(i, carry):
            for j in range(d // lanes):
                sl = pl.ds(j * lanes, lanes)
                q = wide_v[i, sl]
                zz = z_v[i, sl]
                z_v[i, sl] = zz + (q - zz)
            return carry

        lax.fori_loop(0, bpw, row, 0)
        pltpu.sync_copy(z_v, out_hbm.at[pl.ds(base, bpw)])

    return k

# --- scband reference (transcript-rebuilt; emitter-appended) ---
"""Pipeline reference for scband-vector-quantize-31636729102595 (READ-ONLY COPY).

The authoritative reference and input builder live on the scoring server;
editing this copy changes nothing except your own understanding.
"""

import jax, jax.numpy as jnp
import numpy as np

DIM = 64
CODEBOOK_SIZE = 8192
COMMITMENT_WEIGHT = 0.25


def setup_inputs(seed: int = 0) -> dict:
    key = jax.random.key(seed)
    k1, k2 = jax.random.split(key)
    z = jax.random.normal(k1, (16, 576, DIM), dtype=jnp.float32)
    bound = 1.0 / CODEBOOK_SIZE
    codebook = jax.random.uniform(k2, (CODEBOOK_SIZE, DIM), dtype=jnp.float32, minval=-bound, maxval=bound)
    return {"z": z, "codebook": codebook}


def reference(z, codebook):
    B, L, D = z.shape
    flat_z = z.reshape(-1, D)
    dist = (
        jnp.sum(flat_z ** 2, axis=-1, keepdims=True)
        + jnp.sum(codebook ** 2, axis=-1, keepdims=True).T
        - 2.0 * flat_z @ codebook.T
    )
    indices = jnp.argmin(dist, axis=-1)
    quantized = jnp.take(codebook, indices, axis=0).reshape(B, L, D)
    commitment_loss = jnp.mean((z - jax.lax.stop_gradient(quantized)) ** 2)
    codebook_loss = jnp.mean((quantized - jax.lax.stop_gradient(z)) ** 2)
    loss = codebook_loss + COMMITMENT_WEIGHT * commitment_loss
    quantized_st = z + jax.lax.stop_gradient(quantized - z)
    indices = indices.reshape(B, L)
    return (quantized_st, indices, loss)

if __name__ == "__main__":
    import jax
    _d = setup_inputs()
    print(jax.jit(kernel)(*tuple(_d.values())))

</pallas_src>

<mosaic_0001>
#map = affine_map<(d0, d1) -> (0, 0)>
#map1 = affine_map<(d0, d1) -> (0)>
module attributes {stable_mosaic.version = 14 : i64} {
  func.func @k(%arg0: i32, %arg1: i32, %arg2: memref<8192x128xf32, #tpu.memory_space<hbm>>, %arg3: memref<9216xi32, #tpu.memory_space<hbm>>, %arg4: memref<9216x64xf32, #tpu.memory_space<hbm>>, %arg5: memref<9216x64xf32, #tpu.memory_space<hbm>>, %arg6: memref<288xi32, #tpu.memory_space<vmem>>, %arg7: memref<288x128xf32, #tpu.memory_space<vmem>>, %arg8: memref<288x64xf32, #tpu.memory_space<vmem>>, %arg9: memref<!tpu.dma_semaphore, #tpu.memory_space<semaphore_mem>>) attributes {dimension_semantics = [#tpu.dimension_semantics<core_parallel>, #tpu.dimension_semantics<subcore_parallel>], iteration_bounds = array<i64: 2, 16>, scalar_prefetch = 0 : i64, scratch_operands = 4 : i64, tpu.core_type = #tpu.core_type<sc_vector_subcore>, window_params = [{transform_indices = #map}, {transform_indices = #map1}, {transform_indices = #map}, {transform_indices = #map}]} {
    %mul3A = arith.constant 2 : i32
    %mul3A_0 = arith.muli %arg1, %mul3A : i32
    %add3A = arith.addi %mul3A_0, %arg0 : i32
    %mul3A_1 = arith.constant 288 : i32
    %mul3A_2 = arith.muli %add3A, %mul3A_1 : i32
    "tpu.region"() ({
      %run_scoped3A = tpu.sem_alloc : memref<!tpu.dma_semaphore, #tpu.memory_space<semaphore_mem>>
      %dma_start3A_12 = tpu.memref_slice %arg3[%mul3A_2] : memref<9216xi32, #tpu.memory_space<hbm>> -> memref<288xi32, #tpu.memory_space<hbm>>
      %dma_start3A_13 = tpu.memref_slice %arg3[%mul3A_2] : memref<9216xi32, #tpu.memory_space<hbm>> -> memref<288xi32, #tpu.memory_space<hbm>>
      tpu.enqueue_dma source(%dma_start3A_13 : memref<288xi32, #tpu.memory_space<hbm>>) target(%arg6 : memref<288xi32, #tpu.memory_space<vmem>>) target_semaphore(%run_scoped3A : memref<!tpu.dma_semaphore, #tpu.memory_space<semaphore_mem>>)
      %dma_wait3A_14 = tpu.memref_slice %arg3[%mul3A_2] : memref<9216xi32, #tpu.memory_space<hbm>> -> memref<288xi32, #tpu.memory_space<hbm>>
      %dma_wait3A_15 = tpu.memref_slice %arg3[%mul3A_2] : memref<9216xi32, #tpu.memory_space<hbm>> -> memref<288xi32, #tpu.memory_space<hbm>>
      tpu.wait_dma2 semaphore(%run_scoped3A : memref<!tpu.dma_semaphore, #tpu.memory_space<semaphore_mem>>) src(%dma_wait3A_15 : memref<288xi32, #tpu.memory_space<hbm>>) dst(%arg6 : memref<288xi32, #tpu.memory_space<vmem>>)
      tpu.yield
    }) : () -> ()
    %dma_start3A = arith.constant 0 : i32
    %dma_start3A_3 = arith.constant 0 : i32
    %dma_start3A_4 = tpu.memref_slice %arg2[%dma_start3A, %dma_start3A_3] : memref<8192x128xf32, #tpu.memory_space<hbm>> -> memref<8192x128xf32, #tpu.memory_space<hbm>>
    tpu.enqueue_indirect_dma source(%dma_start3A_4 : memref<8192x128xf32, #tpu.memory_space<hbm>>) target(%arg7 : memref<288x128xf32, #tpu.memory_space<vmem>>) offsets(%arg6 : memref<288xi32, #tpu.memory_space<vmem>>) semaphore(%arg9 : memref<!tpu.dma_semaphore, #tpu.memory_space<semaphore_mem>>)
    "tpu.region"() ({
      %run_scoped3A = tpu.sem_alloc : memref<!tpu.dma_semaphore, #tpu.memory_space<semaphore_mem>>
      %dma_start3A_12 = arith.constant 0 : i32
      %dma_start3A_13 = tpu.memref_slice %arg4[%mul3A_2, %dma_start3A_12] : memref<9216x64xf32, #tpu.memory_space<hbm>> -> memref<288x64xf32, #tpu.memory_space<hbm>>
      %dma_start3A_14 = arith.constant 0 : i32
      %dma_start3A_15 = tpu.memref_slice %arg4[%mul3A_2, %dma_start3A_14] : memref<9216x64xf32, #tpu.memory_space<hbm>> -> memref<288x64xf32, #tpu.memory_space<hbm>>
      tpu.enqueue_dma source(%dma_start3A_15 : memref<288x64xf32, #tpu.memory_space<hbm>>) target(%arg8 : memref<288x64xf32, #tpu.memory_space<vmem>>) target_semaphore(%run_scoped3A : memref<!tpu.dma_semaphore, #tpu.memory_space<semaphore_mem>>)
      %dma_wait3A_16 = arith.constant 0 : i32
      %dma_wait3A_17 = tpu.memref_slice %arg4[%mul3A_2, %dma_wait3A_16] : memref<9216x64xf32, #tpu.memory_space<hbm>> -> memref<288x64xf32, #tpu.memory_space<hbm>>
      %dma_wait3A_18 = arith.constant 0 : i32
      %dma_wait3A_19 = tpu.memref_slice %arg4[%mul3A_2, %dma_wait3A_18] : memref<9216x64xf32, #tpu.memory_space<hbm>> -> memref<288x64xf32, #tpu.memory_space<hbm>>
      tpu.wait_dma2 semaphore(%run_scoped3A : memref<!tpu.dma_semaphore, #tpu.memory_space<semaphore_mem>>) src(%dma_wait3A_19 : memref<288x64xf32, #tpu.memory_space<hbm>>) dst(%arg8 : memref<288x64xf32, #tpu.memory_space<vmem>>)
      tpu.yield
    }) : () -> ()
    %dma_wait3A = arith.constant 0 : i32
    %dma_wait3A_5 = arith.constant 0 : i32
    %dma_wait3A_6 = tpu.memref_slice %arg2[%dma_wait3A, %dma_wait3A_5] : memref<8192x128xf32, #tpu.memory_space<hbm>> -> memref<8192x128xf32, #tpu.memory_space<hbm>>
    tpu.wait_indirect_dma semaphore(%arg9 : memref<!tpu.dma_semaphore, #tpu.memory_space<semaphore_mem>>) src(%dma_wait3A_6 : memref<8192x128xf32, #tpu.memory_space<hbm>>) dst(%arg7 : memref<288x128xf32, #tpu.memory_space<vmem>>)
    %scan3A = arith.constant 0 : i32
    %scan3A_7 = arith.constant 0 : i32
    %scan3A_8 = arith.constant 288 : i32
    %scan3A_9 = arith.addi %scan3A_7, %scan3A_8 : i32
    %scan3A_10 = arith.constant 1 : i32
    scf.for %scan3A_12 = %scan3A_7 to %scan3A_9 step %scan3A_10  : i32 {
      %get3A = arith.index_cast %scan3A_12 : i32 to index
      %get3A_13 = arith.constant 0 : index
      %get3A_14 = tpu.vector_load %arg7[%get3A, %get3A_13] {strides = array<i32>} : memref<288x128xf32, #tpu.memory_space<vmem>>, vector<1x16xf32>,
      %get3A_15 = vector.shape_cast %get3A_14 : vector<1x16xf32> to vector<16xf32>
      %get3A_16 = arith.index_cast %scan3A_12 : i32 to index
      %get3A_17 = arith.constant 0 : index
      %get3A_18 = tpu.vector_load %arg8[%get3A_16, %get3A_17] {strides = array<i32>} : memref<288x64xf32, #tpu.memory_space<vmem>>, vector<1x16xf32>,
      %get3A_19 = vector.shape_cast %get3A_18 : vector<1x16xf32> to vector<16xf32>
      %sub3A = arith.subf %get3A_15, %get3A_19 : vector<16xf32>
      %add3A_20 = arith.addf %get3A_19, %sub3A : vector<16xf32>
      %swap3A = arith.index_cast %scan3A_12 : i32 to index
      %swap3A_21 = arith.constant 0 : index
      %swap3A_22 = tpu.vector_load %arg8[%swap3A, %swap3A_21] {strides = array<i32>} : memref<288x64xf32, #tpu.memory_space<vmem>>, vector<1x16xf32>,
      %swap3A_23 = vector.shape_cast %swap3A_22 : vector<1x16xf32> to vector<16xf32>
      %swap3A_24 = vector.shape_cast %add3A_20 : vector<16xf32> to vector<1x16xf32>
      tpu.vector_store %arg8[%swap3A, %swap3A_21], %swap3A_24 {strides = array<i32>} : memref<288x64xf32, #tpu.memory_space<vmem>>, vector<1x16xf32>,
      %get3A_25 = arith.index_cast %scan3A_12 : i32 to index
      %get3A_26 = arith.constant 16 : index
      %get3A_27 = tpu.vector_load %arg7[%get3A_25, %get3A_26] {strides = array<i32>} : memref<288x128xf32, #tpu.memory_space<vmem>>, vector<1x16xf32>,
      %get3A_28 = vector.shape_cast %get3A_27 : vector<1x16xf32> to vector<16xf32>
      %get3A_29 = arith.index_cast %scan3A_12 : i32 to index
      %get3A_30 = arith.constant 16 : index
      %get3A_31 = tpu.vector_load %arg8[%get3A_29, %get3A_30] {strides = array<i32>} : memref<288x64xf32, #tpu.memory_space<vmem>>, vector<1x16xf32>,
      %get3A_32 = vector.shape_cast %get3A_31 : vector<1x16xf32> to vector<16xf32>
      %sub3A_33 = arith.subf %get3A_28, %get3A_32 : vector<16xf32>
      %add3A_34 = arith.addf %get3A_32, %sub3A_33 : vector<16xf32>
      %swap3A_35 = arith.index_cast %scan3A_12 : i32 to index
      %swap3A_36 = arith.constant 16 : index
      %swap3A_37 = tpu.vector_load %arg8[%swap3A_35, %swap3A_36] {strides = array<i32>} : memref<288x64xf32, #tpu.memory_space<vmem>>, vector<1x16xf32>,
      %swap3A_38 = vector.shape_cast %swap3A_37 : vector<1x16xf32> to vector<16xf32>
      %swap3A_39 = vector.shape_cast %add3A_34 : vector<16xf32> to vector<1x16xf32>
      tpu.vector_store %arg8[%swap3A_35, %swap3A_36], %swap3A_39 {strides = array<i32>} : memref<288x64xf32, #tpu.memory_space<vmem>>, vector<1x16xf32>,
      %get3A_40 = arith.index_cast %scan3A_12 : i32 to index
      %get3A_41 = arith.constant 32 : index
      %get3A_42 = tpu.vector_load %arg7[%get3A_40, %get3A_41] {strides = array<i32>} : memref<288x128xf32, #tpu.memory_space<vmem>>, vector<1x16xf32>,
      %get3A_43 = vector.shape_cast %get3A_42 : vector<1x16xf32> to vector<16xf32>
      %get3A_44 = arith.index_cast %scan3A_12 : i32 to index
      %get3A_45 = arith.constant 32 : index
      %get3A_46 = tpu.vector_load %arg8[%get3A_44, %get3A_45] {strides = array<i32>} : memref<288x64xf32, #tpu.memory_space<vmem>>, vector<1x16xf32>,
      %get3A_47 = vector.shape_cast %get3A_46 : vector<1x16xf32> to vector<16xf32>
      %sub3A_48 = arith.subf %get3A_43, %get3A_47 : vector<16xf32>
      %add3A_49 = arith.addf %get3A_47, %sub3A_48 : vector<16xf32>
      %swap3A_50 = arith.index_cast %scan3A_12 : i32 to index
      %swap3A_51 = arith.constant 32 : index
      %swap3A_52 = tpu.vector_load %arg8[%swap3A_50, %swap3A_51] {strides = array<i32>} : memref<288x64xf32, #tpu.memory_space<vmem>>, vector<1x16xf32>,
      %swap3A_53 = vector.shape_cast %swap3A_52 : vector<1x16xf32> to vector<16xf32>
      %swap3A_54 = vector.shape_cast %add3A_49 : vector<16xf32> to vector<1x16xf32>
      tpu.vector_store %arg8[%swap3A_50, %swap3A_51], %swap3A_54 {strides = array<i32>} : memref<288x64xf32, #tpu.memory_space<vmem>>, vector<1x16xf32>,
      %get3A_55 = arith.index_cast %scan3A_12 : i32 to index
      %get3A_56 = arith.constant 48 : index
      %get3A_57 = tpu.vector_load %arg7[%get3A_55, %get3A_56] {strides = array<i32>} : memref<288x128xf32, #tpu.memory_space<vmem>>, vector<1x16xf32>,
      %get3A_58 = vector.shape_cast %get3A_57 : vector<1x16xf32> to vector<16xf32>
      %get3A_59 = arith.index_cast %scan3A_12 : i32 to index
      %get3A_60 = arith.constant 48 : index
      %get3A_61 = tpu.vector_load %arg8[%get3A_59, %get3A_60] {strides = array<i32>} : memref<288x64xf32, #tpu.memory_space<vmem>>, vector<1x16xf32>,
      %get3A_62 = vector.shape_cast %get3A_61 : vector<1x16xf32> to vector<16xf32>
      %sub3A_63 = arith.subf %get3A_58, %get3A_62 : vector<16xf32>
      %add3A_64 = arith.addf %get3A_62, %sub3A_63 : vector<16xf32>
      %swap3A_65 = arith.index_cast %scan3A_12 : i32 to index
      %swap3A_66 = arith.constant 48 : index
      %swap3A_67 = tpu.vector_load %arg8[%swap3A_65, %swap3A_66] {strides = array<i32>} : memref<288x64xf32, #tpu.memory_space<vmem>>, vector<1x16xf32>,
      %swap3A_68 = vector.shape_cast %swap3A_67 : vector<1x16xf32> to vector<16xf32>
      %swap3A_69 = vector.shape_cast %add3A_64 : vector<16xf32> to vector<1x16xf32>
      tpu.vector_store %arg8[%swap3A_65, %swap3A_66], %swap3A_69 {strides = array<i32>} : memref<288x64xf32, #tpu.memory_space<vmem>>, vector<1x16xf32>,
    }
    %scan3A_11 = arith.constant 288 : i32
    "tpu.region"() ({
      %run_scoped3A = tpu.sem_alloc : memref<!tpu.dma_semaphore, #tpu.memory_space<semaphore_mem>>
      %dma_start3A_12 = arith.constant 0 : i32
      %dma_start3A_13 = tpu.memref_slice %arg5[%mul3A_2, %dma_start3A_12] : memref<9216x64xf32, #tpu.memory_space<hbm>> -> memref<288x64xf32, #tpu.memory_space<hbm>>
      %dma_start3A_14 = arith.constant 0 : i32
      %dma_start3A_15 = tpu.memref_slice %arg5[%mul3A_2, %dma_start3A_14] : memref<9216x64xf32, #tpu.memory_space<hbm>> -> memref<288x64xf32, #tpu.memory_space<hbm>>
      tpu.enqueue_dma source(%arg8 : memref<288x64xf32, #tpu.memory_space<vmem>>) target(%dma_start3A_15 : memref<288x64xf32, #tpu.memory_space<hbm>>) target_semaphore(%run_scoped3A : memref<!tpu.dma_semaphore, #tpu.memory_space<semaphore_mem>>)
      %dma_wait3A_16 = arith.constant 0 : i32
      %dma_wait3A_17 = tpu.memref_slice %arg5[%mul3A_2, %dma_wait3A_16] : memref<9216x64xf32, #tpu.memory_space<hbm>> -> memref<288x64xf32, #tpu.memory_space<hbm>>
      %dma_wait3A_18 = arith.constant 0 : i32
      %dma_wait3A_19 = tpu.memref_slice %arg5[%mul3A_2, %dma_wait3A_18] : memref<9216x64xf32, #tpu.memory_space<hbm>> -> memref<288x64xf32, #tpu.memory_space<hbm>>
      tpu.wait_dma2 semaphore(%run_scoped3A : memref<!tpu.dma_semaphore, #tpu.memory_space<semaphore_mem>>) src(%arg8 : memref<288x64xf32, #tpu.memory_space<vmem>>) dst(%dma_wait3A_19 : memref<288x64xf32, #tpu.memory_space<hbm>>)
      tpu.yield
    }) : () -> ()
    return
  }
}

module attributes {stable_mosaic.version = 14 : i64} {
  func.func @_dist_argmin_kernel(%arg0: i32, %arg1: memref<512x64xf32, #tpu.memory_space<vmem>>, %arg2: memref<8192x64xf32, #tpu.memory_space<vmem>>, %arg3: memref<1x8192xf32, #tpu.memory_space<vmem>>, %arg4: memref<512x1xi32, #tpu.memory_space<vmem>>, %arg5: memref<1x1xf32, #tpu.memory_space<vmem>>, %arg6: memref<512x4096xf32, #tpu.memory_space<vmem>>, %arg7: memref<512x4096xf32, #tpu.memory_space<vmem>>) attributes {dimension_semantics = [#tpu.dimension_semantics<arbitrary>], iteration_bounds = array<i64: 18>, scalar_prefetch = 0 : i64, scratch_operands = 2 : i64, tpu.core_type = #tpu.core_type<tc>, window_params = [{transform_indices = @transform_0, window_bounds = array<i64: 512, 64>}, {pipeline_mode = #tpu.pipeline_mode<synchronous>, transform_indices = @transform_1, window_bounds = array<i64: 8192, 64>}, {pipeline_mode = #tpu.pipeline_mode<synchronous>, transform_indices = @transform_2, window_bounds = array<i64: 1, 8192>}, {transform_indices = @transform_3, window_bounds = array<i64: 512, 1>}, {pipeline_mode = #tpu.pipeline_mode<synchronous>, transform_indices = @transform_4, window_bounds = array<i64: 1, 1>}]} {
    %get3A = arith.constant 0 : index
    %get3A_0 = arith.constant 0 : index
    %get3A_1 = vector.load %arg1[%get3A, %get3A_0] : memref<512x64xf32, #tpu.memory_space<vmem>>, vector<512x64xf32>
    %mul3A = arith.constant 2.000000e+00 : f32
    %mul3A_2 = vector.broadcast %mul3A : f32 to vector<512x64xf32>
    %mul3A_3 = arith.mulf %get3A_1, %mul3A_2 : vector<512x64xf32>
    %mul3A_4 = arith.mulf %get3A_1, %get3A_1 : vector<512x64xf32>
    %reduce_sum3A = arith.constant dense<0.000000e+00> : vector<512xf32>
    %reduce_sum3A_5 = vector.multi_reduction <add>, %mul3A_4, %reduce_sum3A [1] : vector<512x64xf32> to vector<512xf32>
    %broadcast_in_dim3A = vector.shape_cast %reduce_sum3A_5 : vector<512xf32> to vector<512x1xf32>
    %eq3A = arith.constant 0 : i32
    %eq3A_6 = arith.cmpi eq, %arg0, %eq3A : i32
    %convert_element_type3A = arith.extui %eq3A_6 : i1 to i32
    %cond3A = arith.constant 0 : i32
    %cond3A_7 = arith.cmpi ne, %convert_element_type3A, %cond3A : i32
    scf.if %cond3A_7 {
      %broadcast_in_dim3A_1017 = arith.constant 0.000000e+00 : f32
      %broadcast_in_dim3A_1018 = vector.broadcast %broadcast_in_dim3A_1017 : f32 to vector<1x1xf32>
      %swap3A_1019 = arith.constant 0 : index
      %swap3A_1020 = arith.constant 0 : index
      %swap3A_1021 = vector.load %arg5[%swap3A_1019, %swap3A_1020] : memref<1x1xf32, #tpu.memory_space<vmem>>, vector<1x1xf32>
      tpu.vector_store %arg5[%swap3A_1019, %swap3A_1020], %broadcast_in_dim3A_1018 {strides = array<i32>} : memref<1x1xf32, #tpu.memory_space<vmem>>, vector<1x1xf32>,
    } else {
    }
    %get3A_8 = arith.constant 0 : index
    %get3A_9 = arith.constant 0 : index
    %get3A_10 = vector.load %arg2[%get3A_8, %get3A_9] : memref<8192x64xf32, #tpu.memory_space<vmem>>, vector<4096x64xf32>
    %dot_general3A = arith.constant dense<0.000000e+00> : vector<512x4096xf32>
    %dot_general3A_11 = tpu.matmul %mul3A_3, %get3A_10, %dot_general3A {dimension_numbers = #tpu.dot_dimension_numbers<[1], [1], [0], [0], [0, 0, 1, 0], [], []>, transpose_lhs_hint = false} : vector<512x64xf32>, vector<4096x64xf32>, vector<512x4096xf32> -> vector<512x4096xf32>
    %swap3A = arith.constant 0 : index
    %swap3A_12 = arith.constant 0 : index
    %swap3A_13 = vector.load %arg6[%swap3A, %swap3A_12] : memref<512x4096xf32, #tpu.memory_space<vmem>>, vector<512x4096xf32>
    tpu.vector_store %arg6[%swap3A, %swap3A_12], %dot_general3A_11 {strides = array<i32>} : memref<512x4096xf32, #tpu.memory_space<vmem>>, vector<512x4096xf32>,
    %get3A_14 = arith.constant 4096 : index
    %get3A_15 = arith.constant 0 : index
    %get3A_16 = vector.load %arg2[%get3A_14, %get3A_15] : memref<8192x64xf32, #tpu.memory_space<vmem>>, vector<4096x64xf32>
    %dot_general3A_17 = arith.constant dense<0.000000e+00> : vector<512x4096xf32>
    %dot_general3A_18 = tpu.matmul %mul3A_3, %get3A_16, %dot_general3A_17 {dimension_numbers = #tpu.dot_dimension_numbers<[1], [1], [0], [0], [0, 0, 1, 0], [], []>, transpose_lhs_hint = false} : vector<512x64xf32>, vector<4096x64xf32>, vector<512x4096xf32> -> vector<512x4096xf32>
    %swap3A_19 = arith.constant 0 : index
    %swap3A_20 = arith.constant 0 : index
    %swap3A_21 = vector.load %arg7[%swap3A_19, %swap3A_20] : memref<512x4096xf32, #tpu.memory_space<vmem>>, vector<512x4096xf32>
    tpu.vector_store %arg7[%swap3A_19, %swap3A_20], %dot_general3A_18 {strides = array<i32>} : memref<512x4096xf32, #tpu.memory_space<vmem>>, vector<512x4096xf32>,
    %broadcast_in_dim3A_22 = arith.constant 0x7F800000 : f32
    %broadcast_in_dim3A_23 = vector.broadcast %broadcast_in_dim3A_22 : f32 to vector<512x128xf32>
    %broadcast_in_dim3A_24 = arith.constant 0.000000e+00 : f32
    %broadcast_in_dim3A_25 = vector.broadcast %broadcast_in_dim3A_24 : f32 to vector<512x128xf32>
    %get3A_26 = arith.constant 0 : index
    %get3A_27 = arith.constant 0 : index
    %get3A_28 = vector.load %arg3[%get3A_26, %get3A_27] : memref<1x8192xf32, #tpu.memory_space<vmem>>, vector<1x128xf32>
    %add3A = vector.broadcast %broadcast_in_dim3A : vector<512x1xf32> to vector<512x128xf32>
    %add3A_29 = vector.broadcast %get3A_28 : vector<1x128xf32> to vector<512x128xf32>
    %add3A_30 = arith.addf %add3A, %add3A_29 : vector<512x128xf32>
    %get3A_31 = arith.constant 0 : index
    %get3A_32 = arith.constant 0 : index
    %get3A_33 = vector.load %arg6[%get3A_31, %get3A_32] : memref<512x4096xf32, #tpu.memory_space<vmem>>, vector<512x128xf32>
    %sub3A = arith.subf %add3A_30, %get3A_33 : vector<512x128xf32>
    %lt3A = arith.cmpf olt, %sub3A, %broadcast_in_dim3A_23 : vector<512x128xf32>
    %select_n3A = arith.select %lt3A, %sub3A, %broadcast_in_dim3A_23 : vector<512x128xi1>, vector<512x128xf32>
    %jit3A = arith.constant 0.000000e+00 : f32
    %broadcast_in_dim3A_34 = vector.broadcast %jit3A : f32 to vector<512x128xf32>
    %select_n3A_35 = arith.select %lt3A, %broadcast_in_dim3A_34, %broadcast_in_dim3A_25 : vector<512x128xi1>, vector<512x128xf32>
    %get3A_36 = arith.constant 0 : index
    %get3A_37 = arith.constant 128 : index
    %get3A_38 = vector.load %arg3[%get3A_36, %get3A_37] : memref<1x8192xf32, #tpu.memory_space<vmem>>, vector<1x128xf32>
    %add3A_39 = vector.broadcast %broadcast_in_dim3A : vector<512x1xf32> to vector<512x128xf32>
    %add3A_40 = vector.broadcast %get3A_38 : vector<1x128xf32> to vector<512x128xf32>
    %add3A_41 = arith.addf %add3A_39, %add3A_40 : vector<512x128xf32>
    %get3A_42 = arith.constant 0 : index
    %get3A_43 = arith.constant 128 : index
    %get3A_44 = vector.load %arg6[%get3A_42, %get3A_43] : memref<512x4096xf32, #tpu.memory_space<vmem>>, vector<512x128xf32>
    %sub3A_45 = arith.subf %add3A_41, %get3A_44 : vector<512x128xf32>
    %lt3A_46 = arith.cmpf olt, %sub3A_45, %select_n3A : vector<512x128xf32>
    %select_n3A_47 = arith.select %lt3A_46, %sub3A_45, %select_n3A : vector<512x128xi1>, vector<512x128xf32>
    %jit3A_48 = arith.constant 1.000000e+00 : f32
    %broadcast_in_dim3A_49 = vector.broadcast %jit3A_48 : f32 to vector<512x128xf32>
    %select_n3A_50 = arith.select %lt3A_46, %broadcast_in_dim3A_49, %select_n3A_35 : vector<512x128xi1>, vector<512x128xf32>
    %get3A_51 = arith.constant 0 : index
    %get3A_52 = arith.constant 256 : index
    %get3A_53 = vector.load %arg3[%get3A_51, %get3A_52] : memref<1x8192xf32, #tpu.memory_space<vmem>>, vector<1x128xf32>
    %add3A_54 = vector.broadcast %broadcast_in_dim3A : vector<512x1xf32> to vector<512x128xf32>
    %add3A_55 = vector.broadcast %get3A_53 : vector<1x128xf32> to vector<512x128xf32>
    %add3A_56 = arith.addf %add3A_54, %add3A_55 : vector<512x128xf32>
    %get3A_57 = arith.constant 0 : index
    %get3A_58 = arith.constant 256 : index
    %get3A_59 = vector.load %arg6[%get3A_57, %get3A_58] : memref<512x4096xf32, #tpu.memory_space<vmem>>, vector<512x128xf32>
    %sub3A_60 = arith.subf %add3A_56, %get3A_59 : vector<512x128xf32>
    %lt3A_61 = arith.cmpf olt, %sub3A_60, %select_n3A_47 : vector<512x128xf32>
    %select_n3A_62 = arith.select %lt3A_61, %sub3A_60, %select_n3A_47 : vector<512x128xi1>, vector<512x128xf32>
    %jit3A_63 = arith.constant 2.000000e+00 : f32
    %broadcast_in_dim3A_64 = vector.broadcast %jit3A_63 : f32 to vector<512x128xf32>
    %select_n3A_65 = arith.select %lt3A_61, %broadcast_in_dim3A_64, %select_n3A_50 : vector<512x128xi1>, vector<512x128xf32>
    %get3A_66 = arith.constant 0 : index
    %get3A_67 = arith.constant 384 : index
    %get3A_68 = vector.load %arg3[%get3A_66, %get3A_67] : memref<1x8192xf32, #tpu.memory_space<vmem>>, vector<1x128xf32>
    %add3A_69 = vector.broadcast %broadcast_in_dim3A : vector<512x1xf32> to vector<512x128xf32>
    %add3A_70 = vector.broadcast %get3A_68 : vector<1x128xf32> to vector<512x128xf32>
    %add3A_71 = arith.addf %add3A_69, %add3A_70 : vector<512x128xf32>
    %get3A_72 = arith.constant 0 : index
    %get3A_73 = arith.constant 384 : index
    %get3A_74 = vector.load %arg6[%get3A_72, %get3A_73] : memref<512x4096xf32, #tpu.memory_space<vmem>>, vector<512x128xf32>
    %sub3A_75 = arith.subf %add3A_71, %get3A_74 : vector<512x128xf32>
    %lt3A_76 = arith.cmpf olt, %sub3A_75, %select_n3A_62 : vector<512x128xf32>
    %select_n3A_77 = arith.select %lt3A_76, %sub3A_75, %select_n3A_62 : vector<512x128xi1>, vector<512x128xf32>
    %jit3A_78 = arith.constant 3.000000e+00 : f32
    %broadcast_in_dim3A_79 = vector.broadcast %jit3A_78 : f32 to vector<512x128xf32>
    %select_n3A_80 = arith.select %lt3A_76, %broadcast_in_dim3A_79, %select_n3A_65 : vector<512x128xi1>, vector<512x128xf32>
    %get3A_81 = arith.constant 0 : index
    %get3A_82 = arith.constant 512 : index
    %get3A_83 = vector.load %arg3[%get3A_81, %get3A_82] : memref<1x8192xf32, #tpu.memory_space<vmem>>, vector<1x128xf32>
    %add3A_84 = vector.broadcast %broadcast_in_dim3A : vector<512x1xf32> to vector<512x128xf32>
    %add3A_85 = vector.broadcast %get3A_83 : vector<1x128xf32> to vector<512x128xf32>
    %add3A_86 = arith.addf %add3A_84, %add3A_85 : vector<512x128xf32>
    %get3A_87 = arith.constant 0 : index
    %get3A_88 = arith.constant 512 : index
    %get3A_89 = vector.load %arg6[%get3A_87, %get3A_88] : memref<512x4096xf32, #tpu.memory_space<vmem>>, vector<512x128xf32>
    %sub3A_90 = arith.subf %add3A_86, %get3A_89 : vector<512x128xf32>
    %lt3A_91 = arith.cmpf olt, %sub3A_90, %select_n3A_77 : vector<512x128xf32>
    %select_n3A_92 = arith.select %lt3A_91, %sub3A_90, %select_n3A_77 : vector<512x128xi1>, vector<512x128xf32>
    %jit3A_93 = arith.constant 4.000000e+00 : f32
    %broadcast_in_dim3A_94 = vector.broadcast %jit3A_93 : f32 to vector<512x128xf32>
    %select_n3A_95 = arith.select %lt3A_91, %broadcast_in_dim3A_94, %select_n3A_80 : vector<512x128xi1>, vector<512x128xf32>
    %get3A_96 = arith.constant 0 : index
    %get3A_97 = arith.constant 640 : index
    %get3A_98 = vector.load %arg3[%get3A_96, %get3A_97] : memref<1x8192xf32, #tpu.memory_space<vmem>>, vector<1x128xf32>
    %add3A_99 = vector.broadcast %broadcast_in_dim3A : vector<512x1xf32> to vector<512x128xf32>
    %add3A_100 = vector.broadcast %get3A_98 : vector<1x128xf32> to vector<512x128xf32>
    %add3A_101 = arith.addf %add3A_99, %add3A_100 : vector<512x128xf32>
    %get3A_102 = arith.constant 0 : index
    %get3A_103 = arith.constant 640 : index
    %get3A_104 = vector.load %arg6[%get3A_102, %get3A_103] : memref<512x4096xf32, #tpu.memory_space<vmem>>, vector<512x128xf32>
    %sub3A_105 = arith.subf %add3A_101, %get3A_104 : vector<512x128xf32>
    %lt3A_106 = arith.cmpf olt, %sub3A_105, %select_n3A_92 : vector<512x128xf32>
    %select_n3A_107 = arith.select %lt3A_106, %sub3A_105, %select_n3A_92 : vector<512x128xi1>, vector<512x128xf32>
    %jit3A_108 = arith.constant 5.000000e+00 : f32
    %broadcast_in_dim3A_109 = vector.broadcast %jit3A_108 : f32 to vector<512x128xf32>
    %select_n3A_110 = arith.select %lt3A_106, %broadcast_in_dim3A_109, %select_n3A_95 : vector<512x128xi1>, vector<512x128xf32>
    %get3A_111 = arith.constant 0 : index
    %get3A_112 = arith.constant 768 : index
    %get3A_113 = vector.load %arg3[%get3A_111, %get3A_112] : memref<1x8192xf32, #tpu.memory_space<vmem>>, vector<1x128xf32>
    %add3A_114 = vector.broadcast %broadcast_in_dim3A : vector<512x1xf32> to vector<512x128xf32>
    %add3A_115 = vector.broadcast %get3A_113 : vector<1x128xf32> to vector<512x128xf32>
    %add3A_116 = arith.addf %add3A_114, %add3A_115 : vector<512x128xf32>
    %get3A_117 = arith.constant 0 : index
    %get3A_118 = arith.constant 768 : index
    %get3A_119 = vector.load %arg6[%get3A_117, %get3A_118] : memref<512x4096xf32, #tpu.memory_space<vmem>>, vector<512x128xf32>
    %sub3A_120 = arith.subf %add3A_116, %get3A_119 : vector<512x128xf32>
    %lt3A_121 = arith.cmpf olt, %sub3A_120, %select_n3A_107 : vector<512x128xf32>
    %select_n3A_122 = arith.select %lt3A_121, %sub3A_120, %select_n3A_107 : vector<512x128xi1>, vector<512x128xf32>
    %jit3A_123 = arith.constant 6.000000e+00 : f32
    %broadcast_in_dim3A_124 = vector.broadcast %jit3A_123 : f32 to vector<512x128xf32>
    %select_n3A_125 = arith.select %lt3A_121, %broadcast_in_dim3A_124, %select_n3A_110 : vector<512x128xi1>, vector<512x128xf32>
    %get3A_126 = arith.constant 0 : index
    %get3A_127 = arith.constant 896 : index
    %get3A_128 = vector.load %arg3[%get3A_126, %get3A_127] : memref<1x8192xf32, #tpu.memory_space<vmem>>, vector<1x128xf32>
    %add3A_129 = vector.broadcast %broadcast_in_dim3A : vector<512x1xf32> to vector<512x128xf32>
    %add3A_130 = vector.broadcast %get3A_128 : vector<1x128xf32> to vector<512x128xf32>
    %add3A_131 = arith.addf %add3A_129, %add3A_130 : vector<512x128xf32>
    %get3A_132 = arith.constant 0 : index
    %get3A_133 = arith.constant 896 : index
    %get3A_134 = vector.load %arg6[%get3A_132, %get3A_133] : memref<512x4096xf32, #tpu.memory_space<vmem>>, vector<512x128xf32>
    %sub3A_135 = arith.subf %add3A_131, %get3A_134 : vector<512x128xf32>
    %lt3A_136 = arith.cmpf olt, %sub3A_135, %select_n3A_122 : vector<512x128xf32>
    %select_n3A_137 = arith.select %lt3A_136, %sub3A_135, %select_n3A_122 : vector<512x128xi1>, vector<512x128xf32>
    %jit3A_138 = arith.constant 7.000000e+00 : f32
    %broadcast_in_dim3A_139 = vector.broadcast %jit3A_138 : f32 to vector<512x128xf32>
    %select_n3A_140 = arith.select %lt3A_136, %broadcast_in_dim3A_139, %select_n3A_125 : vector<512x128xi1>, vector<512x128xf32>
    %get3A_141 = arith.constant 0 : index
    %get3A_142 = arith.constant 1024 : index
    %get3A_143 = vector.load %arg3[%get3A_141, %get3A_142] : memref<1x8192xf32, #tpu.memory_space<vmem>>, vector<1x128xf32>
    %add3A_144 = vector.broadcast %broadcast_in_dim3A : vector<512x1xf32> to vector<512x128xf32>
    %add3A_145 = vector.broadcast %get3A_143 : vector<1x128xf32> to vector<512x128xf32>
    %add3A_146 = arith.addf %add3A_144, %add3A_145 : vector<512x128xf32>
    %get3A_147 = arith.constant 0 : index
    %get3A_148 = arith.constant 1024 : index
    %get3A_149 = vector.load %arg6[%get3A_147, %get3A_148] : memref<512x4096xf32, #tpu.memory_space<vmem>>, vector<512x128xf32>
    %sub3A_150 = arith.subf %add3A_146, %get3A_149 : vector<512x128xf32>
    %lt3A_151 = arith.cmpf olt, %sub3A_150, %select_n3A_137 : vector<512x128xf32>
    %select_n3A_152 = arith.select %lt3A_151, %sub3A_150, %select_n3A_137 : vector<512x128xi1>, vector<512x128xf32>
    %jit3A_153 = arith.constant 8.000000e+00 : f32
    %broadcast_in_dim3A_154 = vector.broadcast %jit3A_153 : f32 to vector<512x128xf32>
    %select_n3A_155 = arith.select %lt3A_151, %broadcast_in_dim3A_154, %select_n3A_140 : vector<512x128xi1>, vector<512x128xf32>
    %get3A_156 = arith.constant 0 : index
    %get3A_157 = arith.constant 1152 : index
    %get3A_158 = vector.load %arg3[%get3A_156, %get3A_157] : memref<1x8192xf32, #tpu.memory_space<vmem>>, vector<1x128xf32>
    %add3A_159 = vector.broadcast %broadcast_in_dim3A : vector<512x1xf32> to vector<512x128xf32>
    %add3A_160 = vector.broadcast %get3A_158 : vector<1x128xf32> to vector<512x128xf32>
    %add3A_161 = arith.addf %add3A_159, %add3A_160 : vector<512x128xf32>
    %get3A_162 = arith.constant 0 : index
    %get3A_163 = arith.constant 1152 : index
    %get3A_164 = vector.load %arg6[%get3A_162, %get3A_163] : memref<512x4096xf32, #tpu.memory_space<vmem>>, vector<512x128xf32>
    %sub3A_165 = arith.subf %add3A_161, %get3A_164 : vector<512x128xf32>
    %lt3A_166 = arith.cmpf olt, %sub3A_165, %select_n3A_152 : vector<512x128xf32>
    %select_n3A_167 = arith.select %lt3A_166, %sub3A_165, %select_n3A_152 : vector<512x128xi1>, vector<512x128xf32>
    %jit3A_168 = arith.constant 9.000000e+00 : f32
    %broadcast_in_dim3A_169 = vector.broadcast %jit3A_168 : f32 to vector<512x128xf32>
    %select_n3A_170 = arith.select %lt3A_166, %broadcast_in_dim3A_169, %select_n3A_155 : vector<512x128xi1>, vector<512x128xf32>
    %get3A_171 = arith.constant 0 : index
    %get3A_172 = arith.constant 1280 : index
    %get3A_173 = vector.load %arg3[%get3A_171, %get3A_172] : memref<1x8192xf32, #tpu.memory_space<vmem>>, vector<1x128xf32>
    %add3A_174 = vector.broadcast %broadcast_in_dim3A : vector<512x1xf32> to vector<512x128xf32>
    %add3A_175 = vector.broadcast %get3A_173 : vector<1x128xf32> to vector<512x128xf32>
    %add3A_176 = arith.addf %add3A_174, %add3A_175 : vector<512x128xf32>
    %get3A_177 = arith.constant 0 : index
    %get3A_178 = arith.constant 1280 : index
    %get3A_179 = vector.load %arg6[%get3A_177, %get3A_178] : memref<512x4096xf32, #tpu.memory_space<vmem>>, vector<512x128xf32>
    %sub3A_180 = arith.subf %add3A_176, %get3A_179 : vector<512x128xf32>
    %lt3A_181 = arith.cmpf olt, %sub3A_180, %select_n3A_167 : vector<512x128xf32>
    %select_n3A_182 = arith.select %lt3A_181, %sub3A_180, %select_n3A_167 : vector<512x128xi1>, vector<512x128xf32>
    %jit3A_183 = arith.constant 1.000000e+01 : f32
    %broadcast_in_dim3A_184 = vector.broadcast %jit3A_183 : f32 to vector<512x128xf32>
    %select_n3A_185 = arith.select %lt3A_181, %broadcast_in_dim3A_184, %select_n3A_170 : vector<512x128xi1>, vector<512x128xf32>
    %get3A_186 = arith.constant 0 : index
    %get3A_187 = arith.constant 1408 : index
    %get3A_188 = vector.load %arg3[%get3A_186, %get3A_187] : memref<1x8192xf32, #tpu.memory_space<vmem>>, vector<1x128xf32>
    %add3A_189 = vector.broadcast %broadcast_in_dim3A : vector<512x1xf32> to vector<512x128xf32>
    %add3A_190 = vector.broadcast %get3A_188 : vector<1x128xf32> to vector<512x128xf32>
    %add3A_191 = arith.addf %add3A_189, %add3A_190 : vector<512x128xf32>
    %get3A_192 = arith.constant 0 : index
    %get3A_193 = arith.constant 1408 : index
    %get3A_194 = vector.load %arg6[%get3A_192, %get3A_193] : memref<512x4096xf32, #tpu.memory_space<vmem>>, vector<512x128xf32>
    %sub3A_195 = arith.subf %add3A_191, %get3A_194 : vector<512x128xf32>
    %lt3A_196 = arith.cmpf olt, %sub3A_195, %select_n3A_182 : vector<512x128xf32>
    %select_n3A_197 = arith.select %lt3A_196, %sub3A_195, %select_n3A_182 : vector<512x128xi1>, vector<512x128xf32>
    %jit3A_198 = arith.constant 1.100000e+01 : f32
    %broadcast_in_dim3A_199 = vector.broadcast %jit3A_198 : f32 to vector<512x128xf32>
    %select_n3A_200 = arith.select %lt3A_196, %broadcast_in_dim3A_199, %select_n3A_185 : vector<512x128xi1>, vector<512x128xf32>
    %get3A_201 = arith.constant 0 : index
    %get3A_202 = arith.constant 1536 : index
    %get3A_203 = vector.load %arg3[%get3A_201, %get3A_202] : memref<1x8192xf32, #tpu.memory_space<vmem>>, vector<1x128xf32>
    %add3A_204 = vector.broadcast %broadcast_in_dim3A : vector<512x1xf32> to vector<512x128xf32>
    %add3A_205 = vector.broadcast %get3A_203 : vector<1x128xf32> to vector<512x128xf32>
    %add3A_206 = arith.addf %add3A_204, %add3A_205 : vector<512x128xf32>
    %get3A_207 = arith.constant 0 : index
    %get3A_208 = arith.constant 1536 : index
    %get3A_209 = vector.load %arg6[%get3A_207, %get3A_208] : memref<512x4096xf32, #tpu.memory_space<vmem>>, vector<512x128xf32>
    %sub3A_210 = arith.subf %add3A_206, %get3A_209 : vector<512x128xf32>
    %lt3A_211 = arith.cmpf olt, %sub3A_210, %select_n3A_197 : vector<512x128xf32>
    %select_n3A_212 = arith.select %lt3A_211, %sub3A_210, %select_n3A_197 : vector<512x128xi1>, vector<512x128xf32>
    %jit3A_213 = arith.constant 1.200000e+01 : f32
    %broadcast_in_dim3A_214 = vector.broadcast %jit3A_213 : f32 to vector<512x128xf32>
    %select_n3A_215 = arith.select %lt3A_211, %broadcast_in_dim3A_214, %select_n3A_200 : vector<512x128xi1>, vector<512x128xf32>
    %get3A_216 = arith.constant 0 : index
    %get3A_217 = arith.constant 1664 : index
    %get3A_218 = vector.load %arg3[%get3A_216, %get3A_217] : memref<1x8192xf32, #tpu.memory_space<vmem>>, vector<1x128xf32>
    %add3A_219 = vector.broadcast %broadcast_in_dim3A : vector<512x1xf32> to vector<512x128xf32>
    %add3A_220 = vector.broadcast %get3A_218 : vector<1x128xf32> to vector<512x128xf32>
    %add3A_221 = arith.addf %add3A_219, %add3A_220 : vector<512x128xf32>
    %get3A_222 = arith.constant 0 : index
    %get3A_223 = arith.constant 1664 : index
    %get3A_224 = vector.load %arg6[%get3A_222, %get3A_223] : memref<512x4096xf32, #tpu.memory_space<vmem>>, vector<512x128xf32>
    %sub3A_225 = arith.subf %add3A_221, %get3A_224 : vector<512x128xf32>
    %lt3A_226 = arith.cmpf olt, %sub3A_225, %select_n3A_212 : vector<512x128xf32>
    %select_n3A_227 = arith.select %lt3A_226, %sub3A_225, %select_n3A_212 : vector<512x128xi1>, vector<512x128xf32>
    %jit3A_228 = arith.constant 1.300000e+01 : f32
    %broadcast_in_dim3A_229 = vector.broadcast %jit3A_228 : f32 to vector<512x128xf32>
    %select_n3A_230 = arith.select %lt3A_226, %broadcast_in_dim3A_229, %select_n3A_215 : vector<512x128xi1>, vector<512x128xf32>
    %get3A_231 = arith.constant 0 : index
    %get3A_232 = arith.constant 1792 : index
    %get3A_233 = vector.load %arg3[%get3A_231, %get3A_232] : memref<1x8192xf32, #tpu.memory_space<vmem>>, vector<1x128xf32>
    %add3A_234 = vector.broadcast %broadcast_in_dim3A : vector<512x1xf32> to vector<512x128xf32>
    %add3A_235 = vector.broadcast %get3A_233 : vector<1x128xf32> to vector<512x128xf32>
    %add3A_236 = arith.addf %add3A_234, %add3A_235 : vector<512x128xf32>
    %get3A_237 = arith.constant 0 : index
    %get3A_238 = arith.constant 1792 : index
    %get3A_239 = vector.load %arg6[%get3A_237, %get3A_238] : memref<512x4096xf32, #tpu.memory_space<vmem>>, vector<512x128xf32>
    %sub3A_240 = arith.subf %add3A_236, %get3A_239 : vector<512x128xf32>
    %lt3A_241 = arith.cmpf olt, %sub3A_240, %select_n3A_227 : vector<512x128xf32>
    %select_n3A_242 = arith.select %lt3A_241, %sub3A_240, %select_n3A_227 : vector<512x128xi1>, vector<512x128xf32>
    %jit3A_243 = arith.constant 1.400000e+01 : f32
    %broadcast_in_dim3A_244 = vector.broadcast %jit3A_243 : f32 to vector<512x128xf32>
    %select_n3A_245 = arith.select %lt3A_241, %broadcast_in_dim3A_244, %select_n3A_230 : vector<512x128xi1>, vector<512x128xf32>
    %get3A_246 = arith.constant 0 : index
    %get3A_247 = arith.constant 1920 : index
    %get3A_248 = vector.load %arg3[%get3A_246, %get3A_247] : memref<1x8192xf32, #tpu.memory_space<vmem>>, vector<1x128xf32>
    %add3A_249 = vector.broadcast %broadcast_in_dim3A : vector<512x1xf32> to vector<512x128xf32>
    %add3A_250 = vector.broadcast %get3A_248 : vector<1x128xf32> to vector<512x128xf32>
    %add3A_251 = arith.addf %add3A_249, %add3A_250 : vector<512x128xf32>
    %get3A_252 = arith.constant 0 : index
    %get3A_253 = arith.constant 1920 : index
    %get3A_254 = vector.load %arg6[%get3A_252, %get3A_253] : memref<512x4096xf32, #tpu.memory_space<vmem>>, vector<512x128xf32>
    %sub3A_255 = arith.subf %add3A_251, %get3A_254 : vector<512x128xf32>
    %lt3A_256 = arith.cmpf olt, %sub3A_255, %select_n3A_242 : vector<512x128xf32>
    %select_n3A_257 = arith.select %lt3A_256, %sub3A_255, %select_n3A_242 : vector<512x128xi1>, vector<512x128xf32>
    %jit3A_258 = arith.constant 1.500000e+01 : f32
    %broadcast_in_dim3A_259 = vector.broadcast %jit3A_258 : f32 to vector<512x128xf32>
    %select_n3A_260 = arith.select %lt3A_256, %broadcast_in_dim3A_259, %select_n3A_245 : vector<512x128xi1>, vector<512x128xf32>
    %get3A_261 = arith.constant 0 : index
    %get3A_262 = arith.constant 2048 : index
    %get3A_263 = vector.load %arg3[%get3A_261, %get3A_262] : memref<1x8192xf32, #tpu.memory_space<vmem>>, vector<1x128xf32>
    %add3A_264 = vector.broadcast %broadcast_in_dim3A : vector<512x1xf32> to vector<512x128xf32>
    %add3A_265 = vector.broadcast %get3A_263 : vector<1x128xf32> to vector<512x128xf32>
    %add3A_266 = arith.addf %add3A_264, %add3A_265 : vector<512x128xf32>
    %get3A_267 = arith.constant 0 : index
    %get3A_268 = arith.constant 2048 : index
    %get3A_269 = vector.load %arg6[%get3A_267, %get3A_268] : memref<512x4096xf32, #tpu.memory_space<vmem>>, vector<512x128xf32>
    %sub3A_270 = arith.subf %add3A_266, %get3A_269 : vector<512x128xf32>
    %lt3A_271 = arith.cmpf olt, %sub3A_270, %select_n3A_257 : vector<512x128xf32>
    %select_n3A_272 = arith.select %lt3A_271, %sub3A_270, %select_n3A_257 : vector<512x128xi1>, vector<512x128xf32>
    %jit3A_273 = arith.constant 1.600000e+01 : f32
    %broadcast_in_dim3A_274 = vector.broadcast %jit3A_273 : f32 to vector<512x128xf32>
    %select_n3A_275 = arith.select %lt3A_271, %broadcast_in_dim3A_274, %select_n3A_260 : vector<512x128xi1>, vector<512x128xf32>
    %get3A_276 = arith.constant 0 : index
    %get3A_277 = arith.constant 2176 : index
    %get3A_278 = vector.load %arg3[%get3A_276, %get3A_277] : memref<1x8192xf32, #tpu.memory_space<vmem>>, vector<1x128xf32>
    %add3A_279 = vector.broadcast %broadcast_in_dim3A : vector<512x1xf32> to vector<512x128xf32>
    %add3A_280 = vector.broadcast %get3A_278 : vector<1x128xf32> to vector<512x128xf32>
    %add3A_281 = arith.addf %add3A_279, %add3A_280 : vector<512x128xf32>
    %get3A_282 = arith.constant 0 : index
    %get3A_283 = arith.constant 2176 : index
    %get3A_284 = vector.load %arg6[%get3A_282, %get3A_283] : memref<512x4096xf32, #tpu.memory_space<vmem>>, vector<512x128xf32>
    %sub3A_285 = arith.subf %add3A_281, %get3A_284 : vector<512x128xf32>
    %lt3A_286 = arith.cmpf olt, %sub3A_285, %select_n3A_272 : vector<512x128xf32>
    %select_n3A_287 = arith.select %lt3A_286, %sub3A_285, %select_n3A_272 : vector<512x128xi1>, vector<512x128xf32>
    %jit3A_288 = arith.constant 1.700000e+01 : f32
    %broadcast_in_dim3A_289 = vector.broadcast %jit3A_288 : f32 to vector<512x128xf32>
    %select_n3A_290 = arith.select %lt3A_286, %broadcast_in_dim3A_289, %select_n3A_275 : vector<512x128xi1>, vector<512x128xf32>
    %get3A_291 = arith.constant 0 : index
    %get3A_292 = arith.constant 2304 : index
    %get3A_293 = vector.load %arg3[%get3A_291, %get3A_292] : memref<1x8192xf32, #tpu.memory_space<vmem>>, vector<1x128xf32>
    %add3A_294 = vector.broadcast %broadcast_in_dim3A : vector<512x1xf32> to vector<512x128xf32>
    %add3A_295 = vector.broadcast %get3A_293 : vector<1x128xf32> to vector<512x128xf32>
    %add3A_296 = arith.addf %add3A_294, %add3A_295 : vector<512x128xf32>
    %get3A_297 = arith.constant 0 : index
    %get3A_298 = arith.constant 2304 : index
    %get3A_299 = vector.load %arg6[%get3A_297, %get3A_298] : memref<512x4096xf32, #tpu.memory_space<vmem>>, vector<512x128xf32>
    %sub3A_300 = arith.subf %add3A_296, %get3A_299 : vector<512x128xf32>
    %lt3A_301 = arith.cmpf olt, %sub3A_300, %select_n3A_287 : vector<512x128xf32>
    %select_n3A_302 = arith.select %lt3A_301, %sub3A_300, %select_n3A_287 : vector<512x128xi1>, vector<512x128xf32>
    %jit3A_303 = arith.constant 1.800000e+01 : f32
    %broadcast_in_dim3A_304 = vector.broadcast %jit3A_303 : f32 to vector<512x128xf32>
    %select_n3A_305 = arith.select %lt3A_301, %broadcast_in_dim3A_304, %select_n3A_290 : vector<512x128xi1>, vector<512x128xf32>
    %get3A_306 = arith.constant 0 : index
    %get3A_307 = arith.constant 2432 : index
    %get3A_308 = vector.load %arg3[%get3A_306, %get3A_307] : memref<1x8192xf32, #tpu.memory_space<vmem>>, vector<1x128xf32>
    %add3A_309 = vector.broadcast %broadcast_in_dim3A : vector<512x1xf32> to vector<512x128xf32>
    %add3A_310 = vector.broadcast %get3A_308 : vector<1x128xf32> to vector<512x128xf32>
    %add3A_311 = arith.addf %add3A_309, %add3A_310 : vector<512x128xf32>
    %get3A_312 = arith.constant 0 : index
    %get3A_313 = arith.constant 2432 : index
    %get3A_314 = vector.load %arg6[%get3A_312, %get3A_313] : memref<512x4096xf32, #tpu.memory_space<vmem>>, vector<512x128xf32>
    %sub3A_315 = arith.subf %add3A_311, %get3A_314 : vector<512x128xf32>
    %lt3A_316 = arith.cmpf olt, %sub3A_315, %select_n3A_302 : vector<512x128xf32>
    %select_n3A_317 = arith.select %lt3A_316, %sub3A_315, %select_n3A_302 : vector<512x128xi1>, vector<512x128xf32>
    %jit3A_318 = arith.constant 1.900000e+01 : f32
    %broadcast_in_dim3A_319 = vector.broadcast %jit3A_318 : f32 to vector<512x128xf32>
    %select_n3A_320 = arith.select %lt3A_316, %broadcast_in_dim3A_319, %select_n3A_305 : vector<512x128xi1>, vector<512x128xf32>
    %get3A_321 = arith.constant 0 : index
    %get3A_322 = arith.constant 2560 : index
    %get3A_323 = vector.load %arg3[%get3A_321, %get3A_322] : memref<1x8192xf32, #tpu.memory_space<vmem>>, vector<1x128xf32>
    %add3A_324 = vector.broadcast %broadcast_in_dim3A : vector<512x1xf32> to vector<512x128xf32>
    %add3A_325 = vector.broadcast %get3A_323 : vector<1x128xf32> to vector<512x128xf32>
    %add3A_326 = arith.addf %add3A_324, %add3A_325 : vector<512x128xf32>
    %get3A_327 = arith.constant 0 : index
    %get3A_328 = arith.constant 2560 : index
    %get3A_329 = vector.load %arg6[%get3A_327, %get3A_328] : memref<512x4096xf32, #tpu.memory_space<vmem>>, vector<512x128xf32>
    %sub3A_330 = arith.subf %add3A_326, %get3A_329 : vector<512x128xf32>
    %lt3A_331 = arith.cmpf olt, %sub3A_330, %select_n3A_317 : vector<512x128xf32>
    %select_n3A_332 = arith.select %lt3A_331, %sub3A_330, %select_n3A_317 : vector<512x128xi1>, vector<512x128xf32>
    %jit3A_333 = arith.constant 2.000000e+01 : f32
    %broadcast_in_dim3A_334 = vector.broadcast %jit3A_333 : f32 to vector<512x128xf32>
    %select_n3A_335 = arith.select %lt3A_331, %broadcast_in_dim3A_334, %select_n3A_320 : vector<512x128xi1>, vector<512x128xf32>
    %get3A_336 = arith.constant 0 : index
    %get3A_337 = arith.constant 2688 : index
    %get3A_338 = vector.load %arg3[%get3A_336, %get3A_337] : memref<1x8192xf32, #tpu.memory_space<vmem>>, vector<1x128xf32>
    %add3A_339 = vector.broadcast %broadcast_in_dim3A : vector<512x1xf32> to vector<512x128xf32>
    %add3A_340 = vector.broadcast %get3A_338 : vector<1x128xf32> to vector<512x128xf32>
    %add3A_341 = arith.addf %add3A_339, %add3A_340 : vector<512x128xf32>
    %get3A_342 = arith.constant 0 : index
    %get3A_343 = arith.constant 2688 : index
    %get3A_344 = vector.load %arg6[%get3A_342, %get3A_343] : memref<512x4096xf32, #tpu.memory_space<vmem>>, vector<512x128xf32>
    %sub3A_345 = arith.subf %add3A_341, %get3A_344 : vector<512x128xf32>
    %lt3A_346 = arith.cmpf olt, %sub3A_345, %select_n3A_332 : vector<512x128xf32>
    %select_n3A_347 = arith.select %lt3A_346, %sub3A_345, %select_n3A_332 : vector<512x128xi1>, vector<512x128xf32>
    %jit3A_348 = arith.constant 2.100000e+01 : f32
    %broadcast_in_dim3A_349 = vector.broadcast %jit3A_348 : f32 to vector<512x128xf32>
    %select_n3A_350 = arith.select %lt3A_346, %broadcast_in_dim3A_349, %select_n3A_335 : vector<512x128xi1>, vector<512x128xf32>
    %get3A_351 = arith.constant 0 : index
    %get3A_352 = arith.constant 2816 : index
    %get3A_353 = vector.load %arg3[%get3A_351, %get3A_352] : memref<1x8192xf32, #tpu.memory_space<vmem>>, vector<1x128xf32>
    %add3A_354 = vector.broadcast %broadcast_in_dim3A : vector<512x1xf32> to vector<512x128xf32>
    %add3A_355 = vector.broadcast %get3A_353 : vector<1x128xf32> to vector<512x128xf32>
    %add3A_356 = arith.addf %add3A_354, %add3A_355 : vector<512x128xf32>
    %get3A_357 = arith.constant 0 : index
    %get3A_358 = arith.constant 2816 : index
    %get3A_359 = vector.load %arg6[%get3A_357, %get3A_358] : memref<512x4096xf32, #tpu.memory_space<vmem>>, vector<512x128xf32>
    %sub3A_360 = arith.subf %add3A_356, %get3A_359 : vector<512x128xf32>
    %lt3A_361 = arith.cmpf olt, %sub3A_360, %select_n3A_347 : vector<512x128xf32>
    %select_n3A_362 = arith.select %lt3A_361, %sub3A_360, %select_n3A_347 : vector<512x128xi1>, vector<512x128xf32>
    %jit3A_363 = arith.constant 2.200000e+01 : f32
    %broadcast_in_dim3A_364 = vector.broadcast %jit3A_363 : f32 to vector<512x128xf32>
    %select_n3A_365 = arith.select %lt3A_361, %broadcast_in_dim3A_364, %select_n3A_350 : vector<512x128xi1>, vector<512x128xf32>
    %get3A_366 = arith.constant 0 : index
    %get3A_367 = arith.constant 2944 : index
    %get3A_368 = vector.load %arg3[%get3A_366, %get3A_367] : memref<1x8192xf32, #tpu.memory_space<vmem>>, vector<1x128xf32>
    %add3A_369 = vector.broadcast %broadcast_in_dim3A : vector<512x1xf32> to vector<512x128xf32>
    %add3A_370 = vector.broadcast %get3A_368 : vector<1x128xf32> to vector<512x128xf32>
    %add3A_371 = arith.addf %add3A_369, %add3A_370 : vector<512x128xf32>
    %get3A_372 = arith.constant 0 : index
    %get3A_373 = arith.constant 2944 : index
    %get3A_374 = vector.load %arg6[%get3A_372, %get3A_373] : memref<512x4096xf32, #tpu.memory_space<vmem>>, vector<512x128xf32>
    %sub3A_375 = arith.subf %add3A_371, %get3A_374 : vector<512x128xf32>
    %lt3A_376 = arith.cmpf olt, %sub3A_375, %select_n3A_362 : vector<512x128xf32>
    %select_n3A_377 = arith.select %lt3A_376, %sub3A_375, %select_n3A_362 : vector<512x128xi1>, vector<512x128xf32>
    %jit3A_378 = arith.constant 2.300000e+01 : f32
    %broadcast_in_dim3A_379 = vector.broadcast %jit3A_378 : f32 to vector<512x128xf32>
    %select_n3A_380 = arith.select %lt3A_376, %broadcast_in_dim3A_379, %select_n3A_365 : vector<512x128xi1>, vector<512x128xf32>
    %get3A_381 = arith.constant 0 : index
    %get3A_382 = arith.constant 3072 : index
    %get3A_383 = vector.load %arg3[%get3A_381, %get3A_382] : memref<1x8192xf32, #tpu.memory_space<vmem>>, vector<1x128xf32>
    %add3A_384 = vector.broadcast %broadcast_in_dim3A : vector<512x1xf32> to vector<512x128xf32>
    %add3A_385 = vector.broadcast %get3A_383 : vector<1x128xf32> to vector<512x128xf32>
    %add3A_386 = arith.addf %add3A_384, %add3A_385 : vector<512x128xf32>
    %get3A_387 = arith.constant 0 : index
    %get3A_388 = arith.constant 3072 : index
    %get3A_389 = vector.load %arg6[%get3A_387, %get3A_388] : memref<512x4096xf32, #tpu.memory_space<vmem>>, vector<512x128xf32>
    %sub3A_390 = arith.subf %add3A_386, %get3A_389 : vector<512x128xf32>
    %lt3A_391 = arith.cmpf olt, %sub3A_390, %select_n3A_377 : vector<512x128xf32>
    %select_n3A_392 = arith.select %lt3A_391, %sub3A_390, %select_n3A_377 : vector<512x128xi1>, vector<512x128xf32>
    %jit3A_393 = arith.constant 2.400000e+01 : f32
    %broadcast_in_dim3A_394 = vector.broadcast %jit3A_393 : f32 to vector<512x128xf32>
    %select_n3A_395 = arith.select %lt3A_391, %broadcast_in_dim3A_394, %select_n3A_380 : vector<512x128xi1>, vector<512x128xf32>
    %get3A_396 = arith.constant 0 : index
    %get3A_397 = arith.constant 3200 : index
    %get3A_398 = vector.load %arg3[%get3A_396, %get3A_397] : memref<1x8192xf32, #tpu.memory_space<vmem>>, vector<1x128xf32>
    %add3A_399 = vector.broadcast %broadcast_in_dim3A : vector<512x1xf32> to vector<512x128xf32>
    %add3A_400 = vector.broadcast %get3A_398 : vector<1x128xf32> to vector<512x128xf32>
    %add3A_401 = arith.addf %add3A_399, %add3A_400 : vector<512x128xf32>
    %get3A_402 = arith.constant 0 : index
    %get3A_403 = arith.constant 3200 : index
    %get3A_404 = vector.load %arg6[%get3A_402, %get3A_403] : memref<512x4096xf32, #tpu.memory_space<vmem>>, vector<512x128xf32>
    %sub3A_405 = arith.subf %add3A_401, %get3A_404 : vector<512x128xf32>
    %lt3A_406 = arith.cmpf olt, %sub3A_405, %select_n3A_392 : vector<512x128xf32>
    %select_n3A_407 = arith.select %lt3A_406, %sub3A_405, %select_n3A_392 : vector<512x128xi1>, vector<512x128xf32>
    %jit3A_408 = arith.constant 2.500000e+01 : f32
    %broadcast_in_dim3A_409 = vector.broadcast %jit3A_408 : f32 to vector<512x128xf32>
    %select_n3A_410 = arith.select %lt3A_406, %broadcast_in_dim3A_409, %select_n3A_395 : vector<512x128xi1>, vector<512x128xf32>
    %get3A_411 = arith.constant 0 : index
    %get3A_412 = arith.constant 3328 : index
    %get3A_413 = vector.load %arg3[%get3A_411, %get3A_412] : memref<1x8192xf32, #tpu.memory_space<vmem>>, vector<1x128xf32>
    %add3A_414 = vector.broadcast %broadcast_in_dim3A : vector<512x1xf32> to vector<512x128xf32>
    %add3A_415 = vector.broadcast %get3A_413 : vector<1x128xf32> to vector<512x128xf32>
    %add3A_416 = arith.addf %add3A_414, %add3A_415 : vector<512x128xf32>
    %get3A_417 = arith.constant 0 : index
    %get3A_418 = arith.constant 3328 : index
    %get3A_419 = vector.load %arg6[%get3A_417, %get3A_418] : memref<512x4096xf32, #tpu.memory_space<vmem>>, vector<512x128xf32>
    %sub3A_420 = arith.subf %add3A_416, %get3A_419 : vector<512x128xf32>
    %lt3A_421 = arith.cmpf olt, %sub3A_420, %select_n3A_407 : vector<512x128xf32>
    %select_n3A_422 = arith.select %lt3A_421, %sub3A_420, %select_n3A_407 : vector<512x128xi1>, vector<512x128xf32>
    %jit3A_423 = arith.constant 2.600000e+01 : f32
    %broadcast_in_dim3A_424 = vector.broadcast %jit3A_423 : f32 to vector<512x128xf32>
    %select_n3A_425 = arith.select %lt3A_421, %broadcast_in_dim3A_424, %select_n3A_410 : vector<512x128xi1>, vector<512x128xf32>
    %get3A_426 = arith.constant 0 : index
    %get3A_427 = arith.constant 3456 : index
    %get3A_428 = vector.load %arg3[%get3A_426, %get3A_427] : memref<1x8192xf32, #tpu.memory_space<vmem>>, vector<1x128xf32>
    %add3A_429 = vector.broadcast %broadcast_in_dim3A : vector<512x1xf32> to vector<512x128xf32>
    %add3A_430 = vector.broadcast %get3A_428 : vector<1x128xf32> to vector<512x128xf32>
    %add3A_431 = arith.addf %add3A_429, %add3A_430 : vector<512x128xf32>
    %get3A_432 = arith.constant 0 : index
    %get3A_433 = arith.constant 3456 : index
    %get3A_434 = vector.load %arg6[%get3A_432, %get3A_433] : memref<512x4096xf32, #tpu.memory_space<vmem>>, vector<512x128xf32>
    %sub3A_435 = arith.subf %add3A_431, %get3A_434 : vector<512x128xf32>
    %lt3A_436 = arith.cmpf olt, %sub3A_435, %select_n3A_422 : vector<512x128xf32>
    %select_n3A_437 = arith.select %lt3A_436, %sub3A_435, %select_n3A_422 : vector<512x128xi1>, vector<512x128xf32>
    %jit3A_438 = arith.constant 2.700000e+01 : f32
    %broadcast_in_dim3A_439 = vector.broadcast %jit3A_438 : f32 to vector<512x128xf32>
    %select_n3A_440 = arith.select %lt3A_436, %broadcast_in_dim3A_439, %select_n3A_425 : vector<512x128xi1>, vector<512x128xf32>
    %get3A_441 = arith.constant 0 : index
    %get3A_442 = arith.constant 3584 : index
    %get3A_443 = vector.load %arg3[%get3A_441, %get3A_442] : memref<1x8192xf32, #tpu.memory_space<vmem>>, vector<1x128xf32>
    %add3A_444 = vector.broadcast %broadcast_in_dim3A : vector<512x1xf32> to vector<512x128xf32>
    %add3A_445 = vector.broadcast %get3A_443 : vector<1x128xf32> to vector<512x128xf32>
    %add3A_446 = arith.addf %add3A_444, %add3A_445 : vector<512x128xf32>
    %get3A_447 = arith.constant 0 : index
    %get3A_448 = arith.constant 3584 : index
    %get3A_449 = vector.load %arg6[%get3A_447, %get3A_448] : memref<512x4096xf32, #tpu.memory_space<vmem>>, vector<512x128xf32>
    %sub3A_450 = arith.subf %add3A_446, %get3A_449 : vector<512x128xf32>
    %lt3A_451 = arith.cmpf olt, %sub3A_450, %select_n3A_437 : vector<512x128xf32>
    %select_n3A_452 = arith.select %lt3A_451, %sub3A_450, %select_n3A_437 : vector<512x128xi1>, vector<512x128xf32>
    %jit3A_453 = arith.constant 2.800000e+01 : f32
    %broadcast_in_dim3A_454 = vector.broadcast %jit3A_453 : f32 to vector<512x128xf32>
    %select_n3A_455 = arith.select %lt3A_451, %broadcast_in_dim3A_454, %select_n3A_440 : vector<512x128xi1>, vector<512x128xf32>
    %get3A_456 = arith.constant 0 : index
    %get3A_457 = arith.constant 3712 : index
    %get3A_458 = vector.load %arg3[%get3A_456, %get3A_457] : memref<1x8192xf32, #tpu.memory_space<vmem>>, vector<1x128xf32>
    %add3A_459 = vector.broadcast %broadcast_in_dim3A : vector<512x1xf32> to vector<512x128xf32>
    %add3A_460 = vector.broadcast %get3A_458 : vector<1x128xf32> to vector<512x128xf32>
    %add3A_461 = arith.addf %add3A_459, %add3A_460 : vector<512x128xf32>
    %get3A_462 = arith.constant 0 : index
    %get3A_463 = arith.constant 3712 : index
    %get3A_464 = vector.load %arg6[%get3A_462, %get3A_463] : memref<512x4096xf32, #tpu.memory_space<vmem>>, vector<512x128xf32>
    %sub3A_465 = arith.subf %add3A_461, %get3A_464 : vector<512x128xf32>
    %lt3A_466 = arith.cmpf olt, %sub3A_465, %select_n3A_452 : vector<512x128xf32>
    %select_n3A_467 = arith.select %lt3A_466, %sub3A_465, %select_n3A_452 : vector<512x128xi1>, vector<512x128xf32>
    %jit3A_468 = arith.constant 2.900000e+01 : f32
    %broadcast_in_dim3A_469 = vector.broadcast %jit3A_468 : f32 to vector<512x128xf32>
    %select_n3A_470 = arith.select %lt3A_466, %broadcast_in_dim3A_469, %select_n3A_455 : vector<512x128xi1>, vector<512x128xf32>
    %get3A_471 = arith.constant 0 : index
    %get3A_472 = arith.constant 3840 : index
    %get3A_473 = vector.load %arg3[%get3A_471, %get3A_472] : memref<1x8192xf32, #tpu.memory_space<vmem>>, vector<1x128xf32>
    %add3A_474 = vector.broadcast %broadcast_in_dim3A : vector<512x1xf32> to vector<512x128xf32>
    %add3A_475 = vector.broadcast %get3A_473 : vector<1x128xf32> to vector<512x128xf32>
    %add3A_476 = arith.addf %add3A_474, %add3A_475 : vector<512x128xf32>
    %get3A_477 = arith.constant 0 : index
    %get3A_478 = arith.constant 3840 : index
    %get3A_479 = vector.load %arg6[%get3A_477, %get3A_478] : memref<512x4096xf32, #tpu.memory_space<vmem>>, vector<512x128xf32>
    %sub3A_480 = arith.subf %add3A_476, %get3A_479 : vector<512x128xf32>
    %lt3A_481 = arith.cmpf olt, %sub3A_480, %select_n3A_467 : vector<512x128xf32>
    %select_n3A_482 = arith.select %lt3A_481, %sub3A_480, %select_n3A_467 : vector<512x128xi1>, vector<512x128xf32>
    %jit3A_483 = arith.constant 3.000000e+01 : f32
    %broadcast_in_dim3A_484 = vector.broadcast %jit3A_483 : f32 to vector<512x128xf32>
    %select_n3A_485 = arith.select %lt3A_481, %broadcast_in_dim3A_484, %select_n3A_470 : vector<512x128xi1>, vector<512x128xf32>
    %get3A_486 = arith.constant 0 : index
    %get3A_487 = arith.constant 3968 : index
    %get3A_488 = vector.load %arg3[%get3A_486, %get3A_487] : memref<1x8192xf32, #tpu.memory_space<vmem>>, vector<1x128xf32>
    %add3A_489 = vector.broadcast %broadcast_in_dim3A : vector<512x1xf32> to vector<512x128xf32>
    %add3A_490 = vector.broadcast %get3A_488 : vector<1x128xf32> to vector<512x128xf32>
    %add3A_491 = arith.addf %add3A_489, %add3A_490 : vector<512x128xf32>
    %get3A_492 = arith.constant 0 : index
    %get3A_493 = arith.constant 3968 : index
    %get3A_494 = vector.load %arg6[%get3A_492, %get3A_493] : memref<512x4096xf32, #tpu.memory_space<vmem>>, vector<512x128xf32>
    %sub3A_495 = arith.subf %add3A_491, %get3A_494 : vector<512x128xf32>
    %lt3A_496 = arith.cmpf olt, %sub3A_495, %select_n3A_482 : vector<512x128xf32>
    %select_n3A_497 = arith.select %lt3A_496, %sub3A_495, %select_n3A_482 : vector<512x128xi1>, vector<512x128xf32>
    %jit3A_498 = arith.constant 3.100000e+01 : f32
    %broadcast_in_dim3A_499 = vector.broadcast %jit3A_498 : f32 to vector<512x128xf32>
    %select_n3A_500 = arith.select %lt3A_496, %broadcast_in_dim3A_499, %select_n3A_485 : vector<512x128xi1>, vector<512x128xf32>
    %get3A_501 = arith.constant 0 : index
    %get3A_502 = arith.constant 4096 : index
    %get3A_503 = vector.load %arg3[%get3A_501, %get3A_502] : memref<1x8192xf32, #tpu.memory_space<vmem>>, vector<1x128xf32>
    %add3A_504 = vector.broadcast %broadcast_in_dim3A : vector<512x1xf32> to vector<512x128xf32>
    %add3A_505 = vector.broadcast %get3A_503 : vector<1x128xf32> to vector<512x128xf32>
    %add3A_506 = arith.addf %add3A_504, %add3A_505 : vector<512x128xf32>
    %get3A_507 = arith.constant 0 : index
    %get3A_508 = arith.constant 0 : index
    %get3A_509 = vector.load %arg7[%get3A_507, %get3A_508] : memref<512x4096xf32, #tpu.memory_space<vmem>>, vector<512x128xf32>
    %sub3A_510 = arith.subf %add3A_506, %get3A_509 : vector<512x128xf32>
    %lt3A_511 = arith.cmpf olt, %sub3A_510, %select_n3A_497 : vector<512x128xf32>
    %select_n3A_512 = arith.select %lt3A_511, %sub3A_510, %select_n3A_497 : vector<512x128xi1>, vector<512x128xf32>
    %jit3A_513 = arith.constant 3.200000e+01 : f32
    %broadcast_in_dim3A_514 = vector.broadcast %jit3A_513 : f32 to vector<512x128xf32>
    %select_n3A_515 = arith.select %lt3A_511, %broadcast_in_dim3A_514, %select_n3A_500 : vector<512x128xi1>, vector<512x128xf32>
    %get3A_516 = arith.constant 0 : index
    %get3A_517 = arith.constant 4224 : index
    %get3A_518 = vector.load %arg3[%get3A_516, %get3A_517] : memref<1x8192xf32, #tpu.memory_space<vmem>>, vector<1x128xf32>
    %add3A_519 = vector.broadcast %broadcast_in_dim3A : vector<512x1xf32> to vector<512x128xf32>
    %add3A_520 = vector.broadcast %get3A_518 : vector<1x128xf32> to vector<512x128xf32>
    %add3A_521 = arith.addf %add3A_519, %add3A_520 : vector<512x128xf32>
    %get3A_522 = arith.constant 0 : index
    %get3A_523 = arith.constant 128 : index
    %get3A_524 = vector.load %arg7[%get3A_522, %get3A_523] : memref<512x4096xf32, #tpu.memory_space<vmem>>, vector<512x128xf32>
    %sub3A_525 = arith.subf %add3A_521, %get3A_524 : vector<512x128xf32>
    %lt3A_526 = arith.cmpf olt, %sub3A_525, %select_n3A_512 : vector<512x128xf32>
    %select_n3A_527 = arith.select %lt3A_526, %sub3A_525, %select_n3A_512 : vector<512x128xi1>, vector<512x128xf32>
    %jit3A_528 = arith.constant 3.300000e+01 : f32
    %broadcast_in_dim3A_529 = vector.broadcast %jit3A_528 : f32 to vector<512x128xf32>
    %select_n3A_530 = arith.select %lt3A_526, %broadcast_in_dim3A_529, %select_n3A_515 : vector<512x128xi1>, vector<512x128xf32>
    %get3A_531 = arith.constant 0 : index
    %get3A_532 = arith.constant 4352 : index
    %get3A_533 = vector.load %arg3[%get3A_531, %get3A_532] : memref<1x8192xf32, #tpu.memory_space<vmem>>, vector<1x128xf32>
    %add3A_534 = vector.broadcast %broadcast_in_dim3A : vector<512x1xf32> to vector<512x128xf32>
    %add3A_535 = vector.broadcast %get3A_533 : vector<1x128xf32> to vector<512x128xf32>
    %add3A_536 = arith.addf %add3A_534, %add3A_535 : vector<512x128xf32>
    %get3A_537 = arith.constant 0 : index
    %get3A_538 = arith.constant 256 : index
    %get3A_539 = vector.load %arg7[%get3A_537, %get3A_538] : memref<512x4096xf32, #tpu.memory_space<vmem>>, vector<512x128xf32>
    %sub3A_540 = arith.subf %add3A_536, %get3A_539 : vector<512x128xf32>
    %lt3A_541 = arith.cmpf olt, %sub3A_540, %select_n3A_527 : vector<512x128xf32>
    %select_n3A_542 = arith.select %lt3A_541, %sub3A_540, %select_n3A_527 : vector<512x128xi1>, vector<512x128xf32>
    %jit3A_543 = arith.constant 3.400000e+01 : f32
    %broadcast_in_dim3A_544 = vector.broadcast %jit3A_543 : f32 to vector<512x128xf32>
    %select_n3A_545 = arith.select %lt3A_541, %broadcast_in_dim3A_544, %select_n3A_530 : vector<512x128xi1>, vector<512x128xf32>
    %get3A_546 = arith.constant 0 : index
    %get3A_547 = arith.constant 4480 : index
    %get3A_548 = vector.load %arg3[%get3A_546, %get3A_547] : memref<1x8192xf32, #tpu.memory_space<vmem>>, vector<1x128xf32>
    %add3A_549 = vector.broadcast %broadcast_in_dim3A : vector<512x1xf32> to vector<512x128xf32>
    %add3A_550 = vector.broadcast %get3A_548 : vector<1x128xf32> to vector<512x128xf32>
    %add3A_551 = arith.addf %add3A_549, %add3A_550 : vector<512x128xf32>
    %get3A_552 = arith.constant 0 : index
    %get3A_553 = arith.constant 384 : index
    %get3A_554 = vector.load %arg7[%get3A_552, %get3A_553] : memref<512x4096xf32, #tpu.memory_space<vmem>>, vector<512x128xf32>
    %sub3A_555 = arith.subf %add3A_551, %get3A_554 : vector<512x128xf32>
    %lt3A_556 = arith.cmpf olt, %sub3A_555, %select_n3A_542 : vector<512x128xf32>
    %select_n3A_557 = arith.select %lt3A_556, %sub3A_555, %select_n3A_542 : vector<512x128xi1>, vector<512x128xf32>
    %jit3A_558 = arith.constant 3.500000e+01 : f32
    %broadcast_in_dim3A_559 = vector.broadcast %jit3A_558 : f32 to vector<512x128xf32>
    %select_n3A_560 = arith.select %lt3A_556, %broadcast_in_dim3A_559, %select_n3A_545 : vector<512x128xi1>, vector<512x128xf32>
    %get3A_561 = arith.constant 0 : index
    %get3A_562 = arith.constant 4608 : index
    %get3A_563 = vector.load %arg3[%get3A_561, %get3A_562] : memref<1x8192xf32, #tpu.memory_space<vmem>>, vector<1x128xf32>
    %add3A_564 = vector.broadcast %broadcast_in_dim3A : vector<512x1xf32> to vector<512x128xf32>
    %add3A_565 = vector.broadcast %get3A_563 : vector<1x128xf32> to vector<512x128xf32>
    %add3A_566 = arith.addf %add3A_564, %add3A_565 : vector<512x128xf32>
    %get3A_567 = arith.constant 0 : index
    %get3A_568 = arith.constant 512 : index
    %get3A_569 = vector.load %arg7[%get3A_567, %get3A_568] : memref<512x4096xf32, #tpu.memory_space<vmem>>, vector<512x128xf32>
    %sub3A_570 = arith.subf %add3A_566, %get3A_569 : vector<512x128xf32>
    %lt3A_571 = arith.cmpf olt, %sub3A_570, %select_n3A_557 : vector<512x128xf32>
    %select_n3A_572 = arith.select %lt3A_571, %sub3A_570, %select_n3A_557 : vector<512x128xi1>, vector<512x128xf32>
    %jit3A_573 = arith.constant 3.600000e+01 : f32
    %broadcast_in_dim3A_574 = vector.broadcast %jit3A_573 : f32 to vector<512x128xf32>
    %select_n3A_575 = arith.select %lt3A_571, %broadcast_in_dim3A_574, %select_n3A_560 : vector<512x128xi1>, vector<512x128xf32>
    %get3A_576 = arith.constant 0 : index
    %get3A_577 = arith.constant 4736 : index
    %get3A_578 = vector.load %arg3[%get3A_576, %get3A_577] : memref<1x8192xf32, #tpu.memory_space<vmem>>, vector<1x128xf32>
    %add3A_579 = vector.broadcast %broadcast_in_dim3A : vector<512x1xf32> to vector<512x128xf32>
    %add3A_580 = vector.broadcast %get3A_578 : vector<1x128xf32> to vector<512x128xf32>
    %add3A_581 = arith.addf %add3A_579, %add3A_580 : vector<512x128xf32>
    %get3A_582 = arith.constant 0 : index
    %get3A_583 = arith.constant 640 : index
    %get3A_584 = vector.load %arg7[%get3A_582, %get3A_583] : memref<512x4096xf32, #tpu.memory_space<vmem>>, vector<512x128xf32>
    %sub3A_585 = arith.subf %add3A_581, %get3A_584 : vector<512x128xf32>
    %lt3A_586 = arith.cmpf olt, %sub3A_585, %select_n3A_572 : vector<512x128xf32>
    %select_n3A_587 = arith.select %lt3A_586, %sub3A_585, %select_n3A_572 : vector<512x128xi1>, vector<512x128xf32>
    %jit3A_588 = arith.constant 3.700000e+01 : f32
    %broadcast_in_dim3A_589 = vector.broadcast %jit3A_588 : f32 to vector<512x128xf32>
    %select_n3A_590 = arith.select %lt3A_586, %broadcast_in_dim3A_589, %select_n3A_575 : vector<512x128xi1>, vector<512x128xf32>
    %get3A_591 = arith.constant 0 : index
    %get3A_592 = arith.constant 4864 : index
    %get3A_593 = vector.load %arg3[%get3A_591, %get3A_592] : memref<1x8192xf32, #tpu.memory_space<vmem>>, vector<1x128xf32>
    %add3A_594 = vector.broadcast %broadcast_in_dim3A : vector<512x1xf32> to vector<512x128xf32>
    %add3A_595 = vector.broadcast %get3A_593 : vector<1x128xf32> to vector<512x128xf32>
    %add3A_596 = arith.addf %add3A_594, %add3A_595 : vector<512x128xf32>
    %get3A_597 = arith.constant 0 : index
    %get3A_598 = arith.constant 768 : index
    %get3A_599 = vector.load %arg7[%get3A_597, %get3A_598] : memref<512x4096xf32, #tpu.memory_space<vmem>>, vector<512x128xf32>
    %sub3A_600 = arith.subf %add3A_596, %get3A_599 : vector<512x128xf32>
    %lt3A_601 = arith.cmpf olt, %sub3A_600, %select_n3A_587 : vector<512x128xf32>
    %select_n3A_602 = arith.select %lt3A_601, %sub3A_600, %select_n3A_587 : vector<512x128xi1>, vector<512x128xf32>
    %jit3A_603 = arith.constant 3.800000e+01 : f32
    %broadcast_in_dim3A_604 = vector.broadcast %jit3A_603 : f32 to vector<512x128xf32>
    %select_n3A_605 = arith.select %lt3A_601, %broadcast_in_dim3A_604, %select_n3A_590 : vector<512x128xi1>, vector<512x128xf32>
    %get3A_606 = arith.constant 0 : index
    %get3A_607 = arith.constant 4992 : index
    %get3A_608 = vector.load %arg3[%get3A_606, %get3A_607] : memref<1x8192xf32, #tpu.memory_space<vmem>>, vector<1x128xf32>
    %add3A_609 = vector.broadcast %broadcast_in_dim3A : vector<512x1xf32> to vector<512x128xf32>
    %add3A_610 = vector.broadcast %get3A_608 : vector<1x128xf32> to vector<512x128xf32>
    %add3A_611 = arith.addf %add3A_609, %add3A_610 : vector<512x128xf32>
    %get3A_612 = arith.constant 0 : index
    %get3A_613 = arith.constant 896 : index
    %get3A_614 = vector.load %arg7[%get3A_612, %get3A_613] : memref<512x4096xf32, #tpu.memory_space<vmem>>, vector<512x128xf32>
    %sub3A_615 = arith.subf %add3A_611, %get3A_614 : vector<512x128xf32>
    %lt3A_616 = arith.cmpf olt, %sub3A_615, %select_n3A_602 : vector<512x128xf32>
    %select_n3A_617 = arith.select %lt3A_616, %sub3A_615, %select_n3A_602 : vector<512x128xi1>, vector<512x128xf32>
    %jit3A_618 = arith.constant 3.900000e+01 : f32
    %broadcast_in_dim3A_619 = vector.broadcast %jit3A_618 : f32 to vector<512x128xf32>
    %select_n3A_620 = arith.select %lt3A_616, %broadcast_in_dim3A_619, %select_n3A_605 : vector<512x128xi1>, vector<512x128xf32>
    %get3A_621 = arith.constant 0 : index
    %get3A_622 = arith.constant 5120 : index
    %get3A_623 = vector.load %arg3[%get3A_621, %get3A_622] : memref<1x8192xf32, #tpu.memory_space<vmem>>, vector<1x128xf32>
    %add3A_624 = vector.broadcast %broadcast_in_dim3A : vector<512x1xf32> to vector<512x128xf32>
    %add3A_625 = vector.broadcast %get3A_623 : vector<1x128xf32> to vector<512x128xf32>
    %add3A_626 = arith.addf %add3A_624, %add3A_625 : vector<512x128xf32>
    %get3A_627 = arith.constant 0 : index
    %get3A_628 = arith.constant 1024 : index
    %get3A_629 = vector.load %arg7[%get3A_627, %get3A_628] : memref<512x4096xf32, #tpu.memory_space<vmem>>, vector<512x128xf32>
    %sub3A_630 = arith.subf %add3A_626, %get3A_629 : vector<512x128xf32>
    %lt3A_631 = arith.cmpf olt, %sub3A_630, %select_n3A_617 : vector<512x128xf32>
    %select_n3A_632 = arith.select %lt3A_631, %sub3A_630, %select_n3A_617 : vector<512x128xi1>, vector<512x128xf32>
    %jit3A_633 = arith.constant 4.000000e+01 : f32
    %broadcast_in_dim3A_634 = vector.broadcast %jit3A_633 : f32 to vector<512x128xf32>
    %select_n3A_635 = arith.select %lt3A_631, %broadcast_in_dim3A_634, %select_n3A_620 : vector<512x128xi1>, vector<512x128xf32>
    %get3A_636 = arith.constant 0 : index
    %get3A_637 = arith.constant 5248 : index
    %get3A_638 = vector.load %arg3[%get3A_636, %get3A_637] : memref<1x8192xf32, #tpu.memory_space<vmem>>, vector<1x128xf32>
    %add3A_639 = vector.broadcast %broadcast_in_dim3A : vector<512x1xf32> to vector<512x128xf32>
    %add3A_640 = vector.broadcast %get3A_638 : vector<1x128xf32> to vector<512x128xf32>
    %add3A_641 = arith.addf %add3A_639, %add3A_640 : vector<512x128xf32>
    %get3A_642 = arith.constant 0 : index
    %get3A_643 = arith.constant 1152 : index
    %get3A_644 = vector.load %arg7[%get3A_642, %get3A_643] : memref<512x4096xf32, #tpu.memory_space<vmem>>, vector<512x128xf32>
    %sub3A_645 = arith.subf %add3A_641, %get3A_644 : vector<512x128xf32>
    %lt3A_646 = arith.cmpf olt, %sub3A_645, %select_n3A_632 : vector<512x128xf32>
    %select_n3A_647 = arith.select %lt3A_646, %sub3A_645, %select_n3A_632 : vector<512x128xi1>, vector<512x128xf32>
    %jit3A_648 = arith.constant 4.100000e+01 : f32
    %broadcast_in_dim3A_649 = vector.broadcast %jit3A_648 : f32 to vector<512x128xf32>
    %select_n3A_650 = arith.select %lt3A_646, %broadcast_in_dim3A_649, %select_n3A_635 : vector<512x128xi1>, vector<512x128xf32>
    %get3A_651 = arith.constant 0 : index
    %get3A_652 = arith.constant 5376 : index
    %get3A_653 = vector.load %arg3[%get3A_651, %get3A_652] : memref<1x8192xf32, #tpu.memory_space<vmem>>, vector<1x128xf32>
    %add3A_654 = vector.broadcast %broadcast_in_dim3A : vector<512x1xf32> to vector<512x128xf32>
    %add3A_655 = vector.broadcast %get3A_653 : vector<1x128xf32> to vector<512x128xf32>
    %add3A_656 = arith.addf %add3A_654, %add3A_655 : vector<512x128xf32>
    %get3A_657 = arith.constant 0 : index
    %get3A_658 = arith.constant 1280 : index
    %get3A_659 = vector.load %arg7[%get3A_657, %get3A_658] : memref<512x4096xf32, #tpu.memory_space<vmem>>, vector<512x128xf32>
    %sub3A_660 = arith.subf %add3A_656, %get3A_659 : vector<512x128xf32>
    %lt3A_661 = arith.cmpf olt, %sub3A_660, %select_n3A_647 : vector<512x128xf32>
    %select_n3A_662 = arith.select %lt3A_661, %sub3A_660, %select_n3A_647 : vector<512x128xi1>, vector<512x128xf32>
    %jit3A_663 = arith.constant 4.200000e+01 : f32
    %broadcast_in_dim3A_664 = vector.broadcast %jit3A_663 : f32 to vector<512x128xf32>
    %select_n3A_665 = arith.select %lt3A_661, %broadcast_in_dim3A_664, %select_n3A_650 : vector<512x128xi1>, vector<512x128xf32>
    %get3A_666 = arith.constant 0 : index
    %get3A_667 = arith.constant 5504 : index
    %get3A_668 = vector.load %arg3[%get3A_666, %get3A_667] : memref<1x8192xf32, #tpu.memory_space<vmem>>, vector<1x128xf32>
    %add3A_669 = vector.broadcast %broadcast_in_dim3A : vector<512x1xf32> to vector<512x128xf32>
    %add3A_670 = vector.broadcast %get3A_668 : vector<1x128xf32> to vector<512x128xf32>
    %add3A_671 = arith.addf %add3A_669, %add3A_670 : vector<512x128xf32>
    %get3A_672 = arith.constant 0 : index
    %get3A_673 = arith.constant 1408 : index
    %get3A_674 = vector.load %arg7[%get3A_672, %get3A_673] : memref<512x4096xf32, #tpu.memory_space<vmem>>, vector<512x128xf32>
    %sub3A_675 = arith.subf %add3A_671, %get3A_674 : vector<512x128xf32>
    %lt3A_676 = arith.cmpf olt, %sub3A_675, %select_n3A_662 : vector<512x128xf32>
    %select_n3A_677 = arith.select %lt3A_676, %sub3A_675, %select_n3A_662 : vector<512x128xi1>, vector<512x128xf32>
    %jit3A_678 = arith.constant 4.300000e+01 : f32
    %broadcast_in_dim3A_679 = vector.broadcast %jit3A_678 : f32 to vector<512x128xf32>
    %select_n3A_680 = arith.select %lt3A_676, %broadcast_in_dim3A_679, %select_n3A_665 : vector<512x128xi1>, vector<512x128xf32>
    %get3A_681 = arith.constant 0 : index
    %get3A_682 = arith.constant 5632 : index
    %get3A_683 = vector.load %arg3[%get3A_681, %get3A_682] : memref<1x8192xf32, #tpu.memory_space<vmem>>, vector<1x128xf32>
    %add3A_684 = vector.broadcast %broadcast_in_dim3A : vector<512x1xf32> to vector<512x128xf32>
    %add3A_685 = vector.broadcast %get3A_683 : vector<1x128xf32> to vector<512x128xf32>
    %add3A_686 = arith.addf %add3A_684, %add3A_685 : vector<512x128xf32>
    %get3A_687 = arith.constant 0 : index
    %get3A_688 = arith.constant 1536 : index
    %get3A_689 = vector.load %arg7[%get3A_687, %get3A_688] : memref<512x4096xf32, #tpu.memory_space<vmem>>, vector<512x128xf32>
    %sub3A_690 = arith.subf %add3A_686, %get3A_689 : vector<512x128xf32>
    %lt3A_691 = arith.cmpf olt, %sub3A_690, %select_n3A_677 : vector<512x128xf32>
    %select_n3A_692 = arith.select %lt3A_691, %sub3A_690, %select_n3A_677 : vector<512x128xi1>, vector<512x128xf32>
    %jit3A_693 = arith.constant 4.400000e+01 : f32
    %broadcast_in_dim3A_694 = vector.broadcast %jit3A_693 : f32 to vector<512x128xf32>
    %select_n3A_695 = arith.select %lt3A_691, %broadcast_in_dim3A_694, %select_n3A_680 : vector<512x128xi1>, vector<512x128xf32>
    %get3A_696 = arith.constant 0 : index
    %get3A_697 = arith.constant 5760 : index
    %get3A_698 = vector.load %arg3[%get3A_696, %get3A_697] : memref<1x8192xf32, #tpu.memory_space<vmem>>, vector<1x128xf32>
    %add3A_699 = vector.broadcast %broadcast_in_dim3A : vector<512x1xf32> to vector<512x128xf32>
    %add3A_700 = vector.broadcast %get3A_698 : vector<1x128xf32> to vector<512x128xf32>
    %add3A_701 = arith.addf %add3A_699, %add3A_700 : vector<512x128xf32>
    %get3A_702 = arith.constant 0 : index
    %get3A_703 = arith.constant 1664 : index
    %get3A_704 = vector.load %arg7[%get3A_702, %get3A_703] : memref<512x4096xf32, #tpu.memory_space<vmem>>, vector<512x128xf32>
    %sub3A_705 = arith.subf %add3A_701, %get3A_704 : vector<512x128xf32>
    %lt3A_706 = arith.cmpf olt, %sub3A_705, %select_n3A_692 : vector<512x128xf32>
    %select_n3A_707 = arith.select %lt3A_706, %sub3A_705, %select_n3A_692 : vector<512x128xi1>, vector<512x128xf32>
    %jit3A_708 = arith.constant 4.500000e+01 : f32
    %broadcast_in_dim3A_709 = vector.broadcast %jit3A_708 : f32 to vector<512x128xf32>
    %select_n3A_710 = arith.select %lt3A_706, %broadcast_in_dim3A_709, %select_n3A_695 : vector<512x128xi1>, vector<512x128xf32>
    %get3A_711 = arith.constant 0 : index
    %get3A_712 = arith.constant 5888 : index
    %get3A_713 = vector.load %arg3[%get3A_711, %get3A_712] : memref<1x8192xf32, #tpu.memory_space<vmem>>, vector<1x128xf32>
    %add3A_714 = vector.broadcast %broadcast_in_dim3A : vector<512x1xf32> to vector<512x128xf32>
    %add3A_715 = vector.broadcast %get3A_713 : vector<1x128xf32> to vector<512x128xf32>
    %add3A_716 = arith.addf %add3A_714, %add3A_715 : vector<512x128xf32>
    %get3A_717 = arith.constant 0 : index
    %get3A_718 = arith.constant 1792 : index
    %get3A_719 = vector.load %arg7[%get3A_717, %get3A_718] : memref<512x4096xf32, #tpu.memory_space<vmem>>, vector<512x128xf32>
    %sub3A_720 = arith.subf %add3A_716, %get3A_719 : vector<512x128xf32>
    %lt3A_721 = arith.cmpf olt, %sub3A_720, %select_n3A_707 : vector<512x128xf32>
    %select_n3A_722 = arith.select %lt3A_721, %sub3A_720, %select_n3A_707 : vector<512x128xi1>, vector<512x128xf32>
    %jit3A_723 = arith.constant 4.600000e+01 : f32
    %broadcast_in_dim3A_724 = vector.broadcast %jit3A_723 : f32 to vector<512x128xf32>
    %select_n3A_725 = arith.select %lt3A_721, %broadcast_in_dim3A_724, %select_n3A_710 : vector<512x128xi1>, vector<512x128xf32>
    %get3A_726 = arith.constant 0 : index
    %get3A_727 = arith.constant 6016 : index
    %get3A_728 = vector.load %arg3[%get3A_726, %get3A_727] : memref<1x8192xf32, #tpu.memory_space<vmem>>, vector<1x128xf32>
    %add3A_729 = vector.broadcast %broadcast_in_dim3A : vector<512x1xf32> to vector<512x128xf32>
    %add3A_730 = vector.broadcast %get3A_728 : vector<1x128xf32> to vector<512x128xf32>
    %add3A_731 = arith.addf %add3A_729, %add3A_730 : vector<512x128xf32>
    %get3A_732 = arith.constant 0 : index
    %get3A_733 = arith.constant 1920 : index
    %get3A_734 = vector.load %arg7[%get3A_732, %get3A_733] : memref<512x4096xf32, #tpu.memory_space<vmem>>, vector<512x128xf32>
    %sub3A_735 = arith.subf %add3A_731, %get3A_734 : vector<512x128xf32>
    %lt3A_736 = arith.cmpf olt, %sub3A_735, %select_n3A_722 : vector<512x128xf32>
    %select_n3A_737 = arith.select %lt3A_736, %sub3A_735, %select_n3A_722 : vector<512x128xi1>, vector<512x128xf32>
    %jit3A_738 = arith.constant 4.700000e+01 : f32
    %broadcast_in_dim3A_739 = vector.broadcast %jit3A_738 : f32 to vector<512x128xf32>
    %select_n3A_740 = arith.select %lt3A_736, %broadcast_in_dim3A_739, %select_n3A_725 : vector<512x128xi1>, vector<512x128xf32>
    %get3A_741 = arith.constant 0 : index
    %get3A_742 = arith.constant 6144 : index
    %get3A_743 = vector.load %arg3[%get3A_741, %get3A_742] : memref<1x8192xf32, #tpu.memory_space<vmem>>, vector<1x128xf32>
    %add3A_744 = vector.broadcast %broadcast_in_dim3A : vector<512x1xf32> to vector<512x128xf32>
    %add3A_745 = vector.broadcast %get3A_743 : vector<1x128xf32> to vector<512x128xf32>
    %add3A_746 = arith.addf %add3A_744, %add3A_745 : vector<512x128xf32>
    %get3A_747 = arith.constant 0 : index
    %get3A_748 = arith.constant 2048 : index
    %get3A_749 = vector.load %arg7[%get3A_747, %get3A_748] : memref<512x4096xf32, #tpu.memory_space<vmem>>, vector<512x128xf32>
    %sub3A_750 = arith.subf %add3A_746, %get3A_749 : vector<512x128xf32>
    %lt3A_751 = arith.cmpf olt, %sub3A_750, %select_n3A_737 : vector<512x128xf32>
    %select_n3A_752 = arith.select %lt3A_751, %sub3A_750, %select_n3A_737 : vector<512x128xi1>, vector<512x128xf32>
    %jit3A_753 = arith.constant 4.800000e+01 : f32
    %broadcast_in_dim3A_754 = vector.broadcast %jit3A_753 : f32 to vector<512x128xf32>
    %select_n3A_755 = arith.select %lt3A_751, %broadcast_in_dim3A_754, %select_n3A_740 : vector<512x128xi1>, vector<512x128xf32>
    %get3A_756 = arith.constant 0 : index
    %get3A_757 = arith.constant 6272 : index
    %get3A_758 = vector.load %arg3[%get3A_756, %get3A_757] : memref<1x8192xf32, #tpu.memory_space<vmem>>, vector<1x128xf32>
    %add3A_759 = vector.broadcast %broadcast_in_dim3A : vector<512x1xf32> to vector<512x128xf32>
    %add3A_760 = vector.broadcast %get3A_758 : vector<1x128xf32> to vector<512x128xf32>
    %add3A_761 = arith.addf %add3A_759, %add3A_760 : vector<512x128xf32>
    %get3A_762 = arith.constant 0 : index
    %get3A_763 = arith.constant 2176 : index
    %get3A_764 = vector.load %arg7[%get3A_762, %get3A_763] : memref<512x4096xf32, #tpu.memory_space<vmem>>, vector<512x128xf32>
    %sub3A_765 = arith.subf %add3A_761, %get3A_764 : vector<512x128xf32>
    %lt3A_766 = arith.cmpf olt, %sub3A_765, %select_n3A_752 : vector<512x128xf32>
    %select_n3A_767 = arith.select %lt3A_766, %sub3A_765, %select_n3A_752 : vector<512x128xi1>, vector<512x128xf32>
    %jit3A_768 = arith.constant 4.900000e+01 : f32
    %broadcast_in_dim3A_769 = vector.broadcast %jit3A_768 : f32 to vector<512x128xf32>
    %select_n3A_770 = arith.select %lt3A_766, %broadcast_in_dim3A_769, %select_n3A_755 : vector<512x128xi1>, vector<512x128xf32>
    %get3A_771 = arith.constant 0 : index
    %get3A_772 = arith.constant 6400 : index
    %get3A_773 = vector.load %arg3[%get3A_771, %get3A_772] : memref<1x8192xf32, #tpu.memory_space<vmem>>, vector<1x128xf32>
    %add3A_774 = vector.broadcast %broadcast_in_dim3A : vector<512x1xf32> to vector<512x128xf32>
    %add3A_775 = vector.broadcast %get3A_773 : vector<1x128xf32> to vector<512x128xf32>
    %add3A_776 = arith.addf %add3A_774, %add3A_775 : vector<512x128xf32>
    %get3A_777 = arith.constant 0 : index
    %get3A_778 = arith.constant 2304 : index
    %get3A_779 = vector.load %arg7[%get3A_777, %get3A_778] : memref<512x4096xf32, #tpu.memory_space<vmem>>, vector<512x128xf32>
    %sub3A_780 = arith.subf %add3A_776, %get3A_779 : vector<512x128xf32>
    %lt3A_781 = arith.cmpf olt, %sub3A_780, %select_n3A_767 : vector<512x128xf32>
    %select_n3A_782 = arith.select %lt3A_781, %sub3A_780, %select_n3A_767 : vector<512x128xi1>, vector<512x128xf32>
    %jit3A_783 = arith.constant 5.000000e+01 : f32
    %broadcast_in_dim3A_784 = vector.broadcast %jit3A_783 : f32 to vector<512x128xf32>
    %select_n3A_785 = arith.select %lt3A_781, %broadcast_in_dim3A_784, %select_n3A_770 : vector<512x128xi1>, vector<512x128xf32>
    %get3A_786 = arith.constant 0 : index
    %get3A_787 = arith.constant 6528 : index
    %get3A_788 = vector.load %arg3[%get3A_786, %get3A_787] : memref<1x8192xf32, #tpu.memory_space<vmem>>, vector<1x128xf32>
    %add3A_789 = vector.broadcast %broadcast_in_dim3A : vector<512x1xf32> to vector<512x128xf32>
    %add3A_790 = vector.broadcast %get3A_788 : vector<1x128xf32> to vector<512x128xf32>
    %add3A_791 = arith.addf %add3A_789, %add3A_790 : vector<512x128xf32>
    %get3A_792 = arith.constant 0 : index
    %get3A_793 = arith.constant 2432 : index
    %get3A_794 = vector.load %arg7[%get3A_792, %get3A_793] : memref<512x4096xf32, #tpu.memory_space<vmem>>, vector<512x128xf32>
    %sub3A_795 = arith.subf %add3A_791, %get3A_794 : vector<512x128xf32>
    %lt3A_796 = arith.cmpf olt, %sub3A_795, %select_n3A_782 : vector<512x128xf32>
    %select_n3A_797 = arith.select %lt3A_796, %sub3A_795, %select_n3A_782 : vector<512x128xi1>, vector<512x128xf32>
    %jit3A_798 = arith.constant 5.100000e+01 : f32
    %broadcast_in_dim3A_799 = vector.broadcast %jit3A_798 : f32 to vector<512x128xf32>
    %select_n3A_800 = arith.select %lt3A_796, %broadcast_in_dim3A_799, %select_n3A_785 : vector<512x128xi1>, vector<512x128xf32>
    %get3A_801 = arith.constant 0 : index
    %get3A_802 = arith.constant 6656 : index
    %get3A_803 = vector.load %arg3[%get3A_801, %get3A_802] : memref<1x8192xf32, #tpu.memory_space<vmem>>, vector<1x128xf32>
    %add3A_804 = vector.broadcast %broadcast_in_dim3A : vector<512x1xf32> to vector<512x128xf32>
    %add3A_805 = vector.broadcast %get3A_803 : vector<1x128xf32> to vector<512x128xf32>
    %add3A_806 = arith.addf %add3A_804, %add3A_805 : vector<512x128xf32>
    %get3A_807 = arith.constant 0 : index
    %get3A_808 = arith.constant 2560 : index
    %get3A_809 = vector.load %arg7[%get3A_807, %get3A_808] : memref<512x4096xf32, #tpu.memory_space<vmem>>, vector<512x128xf32>
    %sub3A_810 = arith.subf %add3A_806, %get3A_809 : vector<512x128xf32>
    %lt3A_811 = arith.cmpf olt, %sub3A_810, %select_n3A_797 : vector<512x128xf32>
    %select_n3A_812 = arith.select %lt3A_811, %sub3A_810, %select_n3A_797 : vector<512x128xi1>, vector<512x128xf32>
    %jit3A_813 = arith.constant 5.200000e+01 : f32
    %broadcast_in_dim3A_814 = vector.broadcast %jit3A_813 : f32 to vector<512x128xf32>
    %select_n3A_815 = arith.select %lt3A_811, %broadcast_in_dim3A_814, %select_n3A_800 : vector<512x128xi1>, vector<512x128xf32>
    %get3A_816 = arith.constant 0 : index
    %get3A_817 = arith.constant 6784 : index
    %get3A_818 = vector.load %arg3[%get3A_816, %get3A_817] : memref<1x8192xf32, #tpu.memory_space<vmem>>, vector<1x128xf32>
    %add3A_819 = vector.broadcast %broadcast_in_dim3A : vector<512x1xf32> to vector<512x128xf32>
    %add3A_820 = vector.broadcast %get3A_818 : vector<1x128xf32> to vector<512x128xf32>
    %add3A_821 = arith.addf %add3A_819, %add3A_820 : vector<512x128xf32>
    %get3A_822 = arith.constant 0 : index
    %get3A_823 = arith.constant 2688 : index
    %get3A_824 = vector.load %arg7[%get3A_822, %get3A_823] : memref<512x4096xf32, #tpu.memory_space<vmem>>, vector<512x128xf32>
    %sub3A_825 = arith.subf %add3A_821, %get3A_824 : vector<512x128xf32>
    %lt3A_826 = arith.cmpf olt, %sub3A_825, %select_n3A_812 : vector<512x128xf32>
    %select_n3A_827 = arith.select %lt3A_826, %sub3A_825, %select_n3A_812 : vector<512x128xi1>, vector<512x128xf32>
    %jit3A_828 = arith.constant 5.300000e+01 : f32
    %broadcast_in_dim3A_829 = vector.broadcast %jit3A_828 : f32 to vector<512x128xf32>
    %select_n3A_830 = arith.select %lt3A_826, %broadcast_in_dim3A_829, %select_n3A_815 : vector<512x128xi1>, vector<512x128xf32>
    %get3A_831 = arith.constant 0 : index
    %get3A_832 = arith.constant 6912 : index
    %get3A_833 = vector.load %arg3[%get3A_831, %get3A_832] : memref<1x8192xf32, #tpu.memory_space<vmem>>, vector<1x128xf32>
    %add3A_834 = vector.broadcast %broadcast_in_dim3A : vector<512x1xf32> to vector<512x128xf32>
    %add3A_835 = vector.broadcast %get3A_833 : vector<1x128xf32> to vector<512x128xf32>
    %add3A_836 = arith.addf %add3A_834, %add3A_835 : vector<512x128xf32>
    %get3A_837 = arith.constant 0 : index
    %get3A_838 = arith.constant 2816 : index
    %get3A_839 = vector.load %arg7[%get3A_837, %get3A_838] : memref<512x4096xf32, #tpu.memory_space<vmem>>, vector<512x128xf32>
    %sub3A_840 = arith.subf %add3A_836, %get3A_839 : vector<512x128xf32>
    %lt3A_841 = arith.cmpf olt, %sub3A_840, %select_n3A_827 : vector<512x128xf32>
    %select_n3A_842 = arith.select %lt3A_841, %sub3A_840, %select_n3A_827 : vector<512x128xi1>, vector<512x128xf32>
    %jit3A_843 = arith.constant 5.400000e+01 : f32
    %broadcast_in_dim3A_844 = vector.broadcast %jit3A_843 : f32 to vector<512x128xf32>
    %select_n3A_845 = arith.select %lt3A_841, %broadcast_in_dim3A_844, %select_n3A_830 : vector<512x128xi1>, vector<512x128xf32>
    %get3A_846 = arith.constant 0 : index
    %get3A_847 = arith.constant 7040 : index
    %get3A_848 = vector.load %arg3[%get3A_846, %get3A_847] : memref<1x8192xf32, #tpu.memory_space<vmem>>, vector<1x128xf32>
    %add3A_849 = vector.broadcast %broadcast_in_dim3A : vector<512x1xf32> to vector<512x128xf32>
    %add3A_850 = vector.broadcast %get3A_848 : vector<1x128xf32> to vector<512x128xf32>
    %add3A_851 = arith.addf %add3A_849, %add3A_850 : vector<512x128xf32>
    %get3A_852 = arith.constant 0 : index
    %get3A_853 = arith.constant 2944 : index
    %get3A_854 = vector.load %arg7[%get3A_852, %get3A_853] : memref<512x4096xf32, #tpu.memory_space<vmem>>, vector<512x128xf32>
    %sub3A_855 = arith.subf %add3A_851, %get3A_854 : vector<512x128xf32>
    %lt3A_856 = arith.cmpf olt, %sub3A_855, %select_n3A_842 : vector<512x128xf32>
    %select_n3A_857 = arith.select %lt3A_856, %sub3A_855, %select_n3A_842 : vector<512x128xi1>, vector<512x128xf32>
    %jit3A_858 = arith.constant 5.500000e+01 : f32
    %broadcast_in_dim3A_859 = vector.broadcast %jit3A_858 : f32 to vector<512x128xf32>
    %select_n3A_860 = arith.select %lt3A_856, %broadcast_in_dim3A_859, %select_n3A_845 : vector<512x128xi1>, vector<512x128xf32>
    %get3A_861 = arith.constant 0 : index
    %get3A_862 = arith.constant 7168 : index
    %get3A_863 = vector.load %arg3[%get3A_861, %get3A_862] : memref<1x8192xf32, #tpu.memory_space<vmem>>, vector<1x128xf32>
    %add3A_864 = vector.broadcast %broadcast_in_dim3A : vector<512x1xf32> to vector<512x128xf32>
    %add3A_865 = vector.broadcast %get3A_863 : vector<1x128xf32> to vector<512x128xf32>
    %add3A_866 = arith.addf %add3A_864, %add3A_865 : vector<512x128xf32>
    %get3A_867 = arith.constant 0 : index
    %get3A_868 = arith.constant 3072 : index
    %get3A_869 = vector.load %arg7[%get3A_867, %get3A_868] : memref<512x4096xf32, #tpu.memory_space<vmem>>, vector<512x128xf32>
    %sub3A_870 = arith.subf %add3A_866, %get3A_869 : vector<512x128xf32>
    %lt3A_871 = arith.cmpf olt, %sub3A_870, %select_n3A_857 : vector<512x128xf32>
    %select_n3A_872 = arith.select %lt3A_871, %sub3A_870, %select_n3A_857 : vector<512x128xi1>, vector<512x128xf32>
    %jit3A_873 = arith.constant 5.600000e+01 : f32
    %broadcast_in_dim3A_874 = vector.broadcast %jit3A_873 : f32 to vector<512x128xf32>
    %select_n3A_875 = arith.select %lt3A_871, %broadcast_in_dim3A_874, %select_n3A_860 : vector<512x128xi1>, vector<512x128xf32>
    %get3A_876 = arith.constant 0 : index
    %get3A_877 = arith.constant 7296 : index
    %get3A_878 = vector.load %arg3[%get3A_876, %get3A_877] : memref<1x8192xf32, #tpu.memory_space<vmem>>, vector<1x128xf32>
    %add3A_879 = vector.broadcast %broadcast_in_dim3A : vector<512x1xf32> to vector<512x128xf32>
    %add3A_880 = vector.broadcast %get3A_878 : vector<1x128xf32> to vector<512x128xf32>
    %add3A_881 = arith.addf %add3A_879, %add3A_880 : vector<512x128xf32>
    %get3A_882 = arith.constant 0 : index
    %get3A_883 = arith.constant 3200 : index
    %get3A_884 = vector.load %arg7[%get3A_882, %get3A_883] : memref<512x4096xf32, #tpu.memory_space<vmem>>, vector<512x128xf32>
    %sub3A_885 = arith.subf %add3A_881, %get3A_884 : vector<512x128xf32>
    %lt3A_886 = arith.cmpf olt, %sub3A_885, %select_n3A_872 : vector<512x128xf32>
    %select_n3A_887 = arith.select %lt3A_886, %sub3A_885, %select_n3A_872 : vector<512x128xi1>, vector<512x128xf32>
    %jit3A_888 = arith.constant 5.700000e+01 : f32
    %broadcast_in_dim3A_889 = vector.broadcast %jit3A_888 : f32 to vector<512x128xf32>
    %select_n3A_890 = arith.select %lt3A_886, %broadcast_in_dim3A_889, %select_n3A_875 : vector<512x128xi1>, vector<512x128xf32>
    %get3A_891 = arith.constant 0 : index
    %get3A_892 = arith.constant 7424 : index
    %get3A_893 = vector.load %arg3[%get3A_891, %get3A_892] : memref<1x8192xf32, #tpu.memory_space<vmem>>, vector<1x128xf32>
    %add3A_894 = vector.broadcast %broadcast_in_dim3A : vector<512x1xf32> to vector<512x128xf32>
    %add3A_895 = vector.broadcast %get3A_893 : vector<1x128xf32> to vector<512x128xf32>
    %add3A_896 = arith.addf %add3A_894, %add3A_895 : vector<512x128xf32>
    %get3A_897 = arith.constant 0 : index
    %get3A_898 = arith.constant 3328 : index
    %get3A_899 = vector.load %arg7[%get3A_897, %get3A_898] : memref<512x4096xf32, #tpu.memory_space<vmem>>, vector<512x128xf32>
    %sub3A_900 = arith.subf %add3A_896, %get3A_899 : vector<512x128xf32>
    %lt3A_901 = arith.cmpf olt, %sub3A_900, %select_n3A_887 : vector<512x128xf32>
    %select_n3A_902 = arith.select %lt3A_901, %sub3A_900, %select_n3A_887 : vector<512x128xi1>, vector<512x128xf32>
    %jit3A_903 = arith.constant 5.800000e+01 : f32
    %broadcast_in_dim3A_904 = vector.broadcast %jit3A_903 : f32 to vector<512x128xf32>
    %select_n3A_905 = arith.select %lt3A_901, %broadcast_in_dim3A_904, %select_n3A_890 : vector<512x128xi1>, vector<512x128xf32>
    %get3A_906 = arith.constant 0 : index
    %get3A_907 = arith.constant 7552 : index
    %get3A_908 = vector.load %arg3[%get3A_906, %get3A_907] : memref<1x8192xf32, #tpu.memory_space<vmem>>, vector<1x128xf32>
    %add3A_909 = vector.broadcast %broadcast_in_dim3A : vector<512x1xf32> to vector<512x128xf32>
    %add3A_910 = vector.broadcast %get3A_908 : vector<1x128xf32> to vector<512x128xf32>
    %add3A_911 = arith.addf %add3A_909, %add3A_910 : vector<512x128xf32>
    %get3A_912 = arith.constant 0 : index
    %get3A_913 = arith.constant 3456 : index
    %get3A_914 = vector.load %arg7[%get3A_912, %get3A_913] : memref<512x4096xf32, #tpu.memory_space<vmem>>, vector<512x128xf32>
    %sub3A_915 = arith.subf %add3A_911, %get3A_914 : vector<512x128xf32>
    %lt3A_916 = arith.cmpf olt, %sub3A_915, %select_n3A_902 : vector<512x128xf32>
    %select_n3A_917 = arith.select %lt3A_916, %sub3A_915, %select_n3A_902 : vector<512x128xi1>, vector<512x128xf32>
    %jit3A_918 = arith.constant 5.900000e+01 : f32
    %broadcast_in_dim3A_919 = vector.broadcast %jit3A_918 : f32 to vector<512x128xf32>
    %select_n3A_920 = arith.select %lt3A_916, %broadcast_in_dim3A_919, %select_n3A_905 : vector<512x128xi1>, vector<512x128xf32>
    %get3A_921 = arith.constant 0 : index
    %get3A_922 = arith.constant 7680 : index
    %get3A_923 = vector.load %arg3[%get3A_921, %get3A_922] : memref<1x8192xf32, #tpu.memory_space<vmem>>, vector<1x128xf32>
    %add3A_924 = vector.broadcast %broadcast_in_dim3A : vector<512x1xf32> to vector<512x128xf32>
    %add3A_925 = vector.broadcast %get3A_923 : vector<1x128xf32> to vector<512x128xf32>
    %add3A_926 = arith.addf %add3A_924, %add3A_925 : vector<512x128xf32>
    %get3A_927 = arith.constant 0 : index
    %get3A_928 = arith.constant 3584 : index
    %get3A_929 = vector.load %arg7[%get3A_927, %get3A_928] : memref<512x4096xf32, #tpu.memory_space<vmem>>, vector<512x128xf32>
    %sub3A_930 = arith.subf %add3A_926, %get3A_929 : vector<512x128xf32>
    %lt3A_931 = arith.cmpf olt, %sub3A_930, %select_n3A_917 : vector<512x128xf32>
    %select_n3A_932 = arith.select %lt3A_931, %sub3A_930, %select_n3A_917 : vector<512x128xi1>, vector<512x128xf32>
    %jit3A_933 = arith.constant 6.000000e+01 : f32
    %broadcast_in_dim3A_934 = vector.broadcast %jit3A_933 : f32 to vector<512x128xf32>
    %select_n3A_935 = arith.select %lt3A_931, %broadcast_in_dim3A_934, %select_n3A_920 : vector<512x128xi1>, vector<512x128xf32>
    %get3A_936 = arith.constant 0 : index
    %get3A_937 = arith.constant 7808 : index
    %get3A_938 = vector.load %arg3[%get3A_936, %get3A_937] : memref<1x8192xf32, #tpu.memory_space<vmem>>, vector<1x128xf32>
    %add3A_939 = vector.broadcast %broadcast_in_dim3A : vector<512x1xf32> to vector<512x128xf32>
    %add3A_940 = vector.broadcast %get3A_938 : vector<1x128xf32> to vector<512x128xf32>
    %add3A_941 = arith.addf %add3A_939, %add3A_940 : vector<512x128xf32>
    %get3A_942 = arith.constant 0 : index
    %get3A_943 = arith.constant 3712 : index
    %get3A_944 = vector.load %arg7[%get3A_942, %get3A_943] : memref<512x4096xf32, #tpu.memory_space<vmem>>, vector<512x128xf32>
    %sub3A_945 = arith.subf %add3A_941, %get3A_944 : vector<512x128xf32>
    %lt3A_946 = arith.cmpf olt, %sub3A_945, %select_n3A_932 : vector<512x128xf32>
    %select_n3A_947 = arith.select %lt3A_946, %sub3A_945, %select_n3A_932 : vector<512x128xi1>, vector<512x128xf32>
    %jit3A_948 = arith.constant 6.100000e+01 : f32
    %broadcast_in_dim3A_949 = vector.broadcast %jit3A_948 : f32 to vector<512x128xf32>
    %select_n3A_950 = arith.select %lt3A_946, %broadcast_in_dim3A_949, %select_n3A_935 : vector<512x128xi1>, vector<512x128xf32>
    %get3A_951 = arith.constant 0 : index
    %get3A_952 = arith.constant 7936 : index
    %get3A_953 = vector.load %arg3[%get3A_951, %get3A_952] : memref<1x8192xf32, #tpu.memory_space<vmem>>, vector<1x128xf32>
    %add3A_954 = vector.broadcast %broadcast_in_dim3A : vector<512x1xf32> to vector<512x128xf32>
    %add3A_955 = vector.broadcast %get3A_953 : vector<1x128xf32> to vector<512x128xf32>
    %add3A_956 = arith.addf %add3A_954, %add3A_955 : vector<512x128xf32>
    %get3A_957 = arith.constant 0 : index
    %get3A_958 = arith.constant 3840 : index
    %get3A_959 = vector.load %arg7[%get3A_957, %get3A_958] : memref<512x4096xf32, #tpu.memory_space<vmem>>, vector<512x128xf32>
    %sub3A_960 = arith.subf %add3A_956, %get3A_959 : vector<512x128xf32>
    %lt3A_961 = arith.cmpf olt, %sub3A_960, %select_n3A_947 : vector<512x128xf32>
    %select_n3A_962 = arith.select %lt3A_961, %sub3A_960, %select_n3A_947 : vector<512x128xi1>, vector<512x128xf32>
    %jit3A_963 = arith.constant 6.200000e+01 : f32
    %broadcast_in_dim3A_964 = vector.broadcast %jit3A_963 : f32 to vector<512x128xf32>
    %select_n3A_965 = arith.select %lt3A_961, %broadcast_in_dim3A_964, %select_n3A_950 : vector<512x128xi1>, vector<512x128xf32>
    %get3A_966 = arith.constant 0 : index
    %get3A_967 = arith.constant 8064 : index
    %get3A_968 = vector.load %arg3[%get3A_966, %get3A_967] : memref<1x8192xf32, #tpu.memory_space<vmem>>, vector<1x128xf32>
    %add3A_969 = vector.broadcast %broadcast_in_dim3A : vector<512x1xf32> to vector<512x128xf32>
    %add3A_970 = vector.broadcast %get3A_968 : vector<1x128xf32> to vector<512x128xf32>
    %add3A_971 = arith.addf %add3A_969, %add3A_970 : vector<512x128xf32>
    %get3A_972 = arith.constant 0 : index
    %get3A_973 = arith.constant 3968 : index
    %get3A_974 = vector.load %arg7[%get3A_972, %get3A_973] : memref<512x4096xf32, #tpu.memory_space<vmem>>, vector<512x128xf32>
    %sub3A_975 = arith.subf %add3A_971, %get3A_974 : vector<512x128xf32>
    %lt3A_976 = arith.cmpf olt, %sub3A_975, %select_n3A_962 : vector<512x128xf32>
    %select_n3A_977 = arith.select %lt3A_976, %sub3A_975, %select_n3A_962 : vector<512x128xi1>, vector<512x128xf32>
    %jit3A_978 = arith.constant 6.300000e+01 : f32
    %broadcast_in_dim3A_979 = vector.broadcast %jit3A_978 : f32 to vector<512x128xf32>
    %select_n3A_980 = arith.select %lt3A_976, %broadcast_in_dim3A_979, %select_n3A_965 : vector<512x128xi1>, vector<512x128xf32>
    %iota3A = tpu.iota {dimensions = array<i32: 1>} : vector<512x128xi32>
    %convert_element_type3A_981 = arith.sitofp %iota3A : vector<512x128xi32> to vector<512x128xf32>
    %mul3A_982 = arith.constant 1.280000e+02 : f32
    %mul3A_983 = vector.broadcast %mul3A_982 : f32 to vector<512x128xf32>
    %mul3A_984 = arith.mulf %select_n3A_980, %mul3A_983 : vector<512x128xf32>
    %add3A_985 = arith.addf %mul3A_984, %convert_element_type3A_981 : vector<512x128xf32>
    %reduce_min3A = arith.constant dense<0x7F800000> : vector<512xf32>
    %reduce_min3A_986 = vector.multi_reduction <minimumf>, %select_n3A_977, %reduce_min3A [1] : vector<512x128xf32> to vector<512xf32>
    %broadcast_in_dim3A_987 = vector.shape_cast %reduce_min3A_986 : vector<512xf32> to vector<512x1xf32>
    %eq3A_988 = vector.broadcast %broadcast_in_dim3A_987 : vector<512x1xf32> to vector<512x128xf32>
    %eq3A_989 = arith.cmpf oeq, %select_n3A_977, %eq3A_988 : vector<512x128xf32>
    %jit3A_990 = arith.constant 0x4B800000 : f32
    %broadcast_in_dim3A_991 = vector.broadcast %jit3A_990 : f32 to vector<512x128xf32>
    %select_n3A_992 = arith.select %eq3A_989, %add3A_985, %broadcast_in_dim3A_991 : vector<512x128xi1>, vector<512x128xf32>
    %reduce_min3A_993 = arith.constant dense<0x7F800000> : vector<512xf32>
    %reduce_min3A_994 = vector.multi_reduction <minimumf>, %select_n3A_992, %reduce_min3A_993 [1] : vector<512x128xf32> to vector<512xf32>
    %broadcast_in_dim3A_995 = vector.shape_cast %reduce_min3A_994 : vector<512xf32> to vector<512x1xf32>
    %convert_element_type3A_996 = arith.fptosi %broadcast_in_dim3A_995 : vector<512x1xf32> to vector<512x1xi32>
    %swap3A_997 = arith.constant 0 : index
    %swap3A_998 = arith.constant 0 : index
    %swap3A_999 = vector.load %arg4[%swap3A_997, %swap3A_998] : memref<512x1xi32, #tpu.memory_space<vmem>>, vector<512x1xi32>
    tpu.vector_store %arg4[%swap3A_997, %swap3A_998], %convert_element_type3A_996 {strides = array<i32>} : memref<512x1xi32, #tpu.memory_space<vmem>>, vector<512x1xi32>,
    %get3A_1000 = arith.constant 0 : index
    %get3A_1001 = arith.constant 0 : index
    %get3A_1002 = vector.load %arg5[%get3A_1000, %get3A_1001] : memref<1x1xf32, #tpu.memory_space<vmem>>, vector<1x1xf32>
    %reduce_sum3A_1003 = vector.shape_cast %broadcast_in_dim3A_987 : vector<512x1xf32> to vector<1x512x1xf32>
    %reduce_sum3A_1004 = arith.constant dense<0.000000e+00> : vector<1xf32>
    %reduce_sum3A_1005 = vector.multi_reduction <add>, %reduce_sum3A_1003, %reduce_sum3A_1004 [1, 2] : vector<1x512x1xf32> to vector<1xf32>
    %reduce_sum3A_1006 = vector.shape_cast %reduce_sum3A_1005 : vector<1xf32> to vector<1x1x1xf32>
    %reduce_sum3A_1007 = vector.extract %reduce_sum3A_1006[0, 0, 0] : f32 from vector<1x1x1xf32>
    %reshape3A = vector.broadcast %reduce_sum3A_1007 : f32 to vector<1x1xf32>
    %add3A_1008 = arith.addf %get3A_1002, %reshape3A : vector<1x1xf32>
    %swap3A_1009 = arith.constant 0 : index
    %swap3A_1010 = arith.constant 0 : index
    %swap3A_1011 = vector.load %arg5[%swap3A_1009, %swap3A_1010] : memref<1x1xf32, #tpu.memory_space<vmem>>, vector<1x1xf32>
    tpu.vector_store %arg5[%swap3A_1009, %swap3A_1010], %add3A_1008 {strides = array<i32>} : memref<1x1xf32, #tpu.memory_space<vmem>>, vector<1x1xf32>,
    %eq3A_1012 = arith.constant 17 : i32
    %eq3A_1013 = arith.cmpi eq, %arg0, %eq3A_1012 : i32
    %convert_element_type3A_1014 = arith.extui %eq3A_1013 : i1 to i32
    %cond3A_1015 = arith.constant 0 : i32
    %cond3A_1016 = arith.cmpi ne, %convert_element_type3A_1014, %cond3A_1015 : i32
    scf.if %cond3A_1016 {
      %get3A_1017 = arith.constant 0 : index
      %get3A_1018 = arith.constant 0 : index
      %get3A_1019 = vector.load %arg5[%get3A_1017, %get3A_1018] : memref<1x1xf32, #tpu.memory_space<vmem>>, vector<1x1xf32>
      %div3A = arith.constant 5.898240e+05 : f32
      %div3A_1020 = vector.broadcast %div3A : f32 to vector<1x1xf32>
      %div3A_1021 = arith.divf %get3A_1019, %div3A_1020 : vector<1x1xf32>
      %mul3A_1022 = arith.constant 2.500000e-01 : f32
      %mul3A_1023 = vector.broadcast %mul3A_1022 : f32 to vector<1x1xf32>
      %mul3A_1024 = arith.mulf %mul3A_1023, %div3A_1021 : vector<1x1xf32>
      %add3A_1025 = arith.addf %div3A_1021, %mul3A_1024 : vector<1x1xf32>
      %swap3A_1026 = arith.constant 0 : index
      %swap3A_1027 = arith.constant 0 : index
      %swap3A_1028 = vector.load %arg5[%swap3A_1026, %swap3A_1027] : memref<1x1xf32, #tpu.memory_space<vmem>>, vector<1x1xf32>
      tpu.vector_store %arg5[%swap3A_1026, %swap3A_1027], %add3A_1025 {strides = array<i32>} : memref<1x1xf32, #tpu.memory_space<vmem>>, vector<1x1xf32>,
    } else {
    }
    return
  }
  func.func @transform_0(%arg0: i32) -> (i32, i32) {
    %c0_i32 = arith.constant 0 : i32
    %c0_i32_0 = arith.constant 0 : i32
    return %arg0, %c0_i32 : i32, i32
  }
  func.func @transform_1(%arg0: i32) -> (i32, i32) {
    %c0_i32 = arith.constant 0 : i32
    %c0_i32_0 = arith.constant 0 : i32
    %c0_i32_1 = arith.constant 0 : i32
    return %c0_i32, %c0_i32_0 : i32, i32
  }
  func.func @transform_2(%arg0: i32) -> (i32, i32) {
    %c0_i32 = arith.constant 0 : i32
    %c0_i32_0 = arith.constant 0 : i32
    %c0_i32_1 = arith.constant 0 : i32
    return %c0_i32, %c0_i32_0 : i32, i32
  }
  func.func @transform_3(%arg0: i32) -> (i32, i32) {
    %c0_i32 = arith.constant 0 : i32
    %c0_i32_0 = arith.constant 0 : i32
    return %arg0, %c0_i32 : i32, i32
  }
  func.func @transform_4(%arg0: i32) -> (i32, i32) {
    %c0_i32 = arith.constant 0 : i32
    %c0_i32_0 = arith.constant 0 : i32
    %c0_i32_1 = arith.constant 0 : i32
    return %c0_i32, %c0_i32_0 : i32, i32
  }
}

</mosaic_0001>

<sc_bundles>
// kernel: kernel.4.cloned.1.call-start
scs
__scs_entry_jumppad:
0x0: {  	(pc) =	sbr.rel $0x88, $3  }
0x1: {  	(tag) =	ssettag $0x0;
	lr =	simm.s32 $0x1  }
0x2: {  	[smem:$0x3F9F] =	sst lr;
	_ =	strace $0xD0000000  }
0x3: {  	_ = 	snop  }
0x4: {  	_ = 	snop  }
0x5: {  	_ = 	snop  }
0x6: {  	_ = 	snop  }
0x7: {  	_ = 	snop  }
__scs_overlays_trampoline_lowered:
0x8: {  	[smem:$0x3FAE] =	sst s0  }
0x9: {  	[smem:$0x3FAF] =	sst s1  }
0xa: {  	[smem:$0x3FB0] =	sst s2  }
0xb: {  	[smem:$0x3FB1] =	sst s3  }
0xc: {  	[smem:$0x3FB2] =	sst s4  }
0xd: {  	[smem:$0x3FB3] =	sst s5  }
0xe: {  	[smem:$0x3FB4] =	sst s6  }
0xf: {  	[smem:$0x3FB5] =	sst s7  }
0x10: {  	[smem:$0x3FB6] =	sst s8  }
0x11: {  	[smem:$0x3FB7] =	sst s9;
	s0 =	simm.s32 @!p0 $0x0  }
0x12: {  	s1 =	sld [smem:$0x3F9D];
	s0 =	simm.s32 @p0 $0x1  }
0x13: {  	[smem:$0x3FB8] =	sst s0;
	s0 =	simm.s32 @!p1 $0x0  }
0x14: {  	s2 =	sld [smem:$0x3F9C];
	s0 =	simm.s32 @p1 $0x1  }
0x15: {  	[smem:$0x3FB9] =	sst s0;
	s0 =	simm.s32 @!p2 $0x0  }
0x16: {  	s3 =	sld [smem:$0x3FDB];
	s0 =	simm.s32 @p2 $0x1  }
0x17: {  	s4 =	simm.s32 $0x1BF5;
	[smem:$0x3FBB] =	sst s0  }
0x18: {  	s0 =	sld [smem:$0x3F9E];
	_ =	swait.ge [sflag:s4], $0x0  }
0x19: {  	s7 =	sld [smem:$0x3F9F]  }
0x1a: {  	s8 =	sadd.s32 $0xFFFFE003, lr  }
0x1b: {  	s9 =	sadd.s32 $0xFFFFFEF7, lr;
	s5 =	simm.s32 $0xFFFFFFFF;
	p2 =	slt.u32 s8, $0xFFFFF086  }
0x1c: {  	p1 =	slt.u32 s9, $0xF7A;
	s5 =	simm.s32 @!p2 $0x0  }
0x1d: {  	s5 =	simm.s32 @p1 $0x1;
	p0 =	seq.s32 s7, s2  }
0x1e: {  	s7 =	smul.u32 @!p0 $0xF7A, s2;
	p2 =	seq.s32 @!p0 s5, $0x0  }
0x1f: {  	s9 =	smul.u32 $0xF7A, s1;
	s8 =	simm.s32 @!p0 $0x1BF5;
	p2 =	por !p2, p0  }
0x20: {  	[sflag:s8] =	ssyncset.s32 @!p0 $0xFFFFF086;
	s6 =	sadd.s32 @!p0 s3, s7;
	s7 =	simm.s32 @!p0 $0x108  }
0x21: {  	s3 =	sadd.s32 s3, s9;
	s6 =	sadd.s32 @!p0 $0x88, s6;
	s7 =	simm.s32 @p2 $0x1082  }
0x22: {  	[simem:s7], [sflag:s8] =	dma.local @!p0 [hbm:s6], $0xF7A  }
0x23: {  	s9 =	sor.u32 $0xD0000000, s2;
	s6 =	simm.s32 $0x108;
	_ =	swait.ge @!p0 [sflag:s8], $0x0  }
0x24: {  	s3 =	sadd.s32 $0x88, s3;
	s6 =	simm.s32 @!p1 $0x1082;
	[sflag:s4] =	ssyncset.s32 $0xFFFFF086  }
0x25: {  	[simem:s6], [sflag:s4] =	dma.local [hbm:s3], $0xF7A  }
0x26: {  	[smem:$0x3F9F] =	sst s1;
	(tag) =	ssettag s2;
	_ =	strace s9  }
0x27: {  	s1 =	sld [smem:$0x3FAF]  }
0x28: {  	s2 =	sld [smem:$0x3FB0]  }
0x29: {  	s4 =	sld [smem:$0x3FB2]  }
0x2a: {  	p0 =	seq.s32 s5, $0x0;
	s5 =	sld [smem:$0x3FB3]  }
0x2b: {  	s6 =	sld [smem:$0x3FB4]  }
0x2c: {  	s7 =	sld [smem:$0x3FB5]  }
0x2d: {  	s3 =	simm.s32 $0x108;
	s8 =	sld [smem:$0x3FB6]  }
0x2e: {  	s3 =	simm.s32 @!p0 $0x1082;
	s9 =	sld [smem:$0x3FB7]  }
0x2f: {  	lr =	sadd.s32 s0, s3;
	s0 =	sld [smem:$0x3FAE]  }
0x30: {  	s3 =	sld [smem:$0x3FB1]  }
0x31: {  	[smem:$0x3FBA] =	sst s10  }
0x32: {  	s10 =	sld [smem:$0x3FB8];
	_ =	sdelay $0x3  }
0x33: {  	p0 =	seq.s32 s10, $0x1;
	s10 =	sld [smem:$0x3FBA];
	_ =	sdelay $0x3  }
0x34: {  	[smem:$0x3FBA] =	sst s10  }
0x35: {  	s10 =	sld [smem:$0x3FB9];
	_ =	sdelay $0x3  }
0x36: {  	p1 =	seq.s32 s10, $0x1;
	s10 =	sld [smem:$0x3FBA];
	_ =	sdelay $0x3  }
0x37: {  	[smem:$0x3FBA] =	sst s10  }
0x38: {  	s10 =	sld [smem:$0x3FBB]  }
0x39: {  	_ = 	snop;
	(pc) =	sbr.ind lr, $3  }
0x3a: {  	_ = 	snop  }
0x3b: {  	_ = 	snop  }
0x3c: {  	p2 =	seq.s32 s10, $0x1;
	s10 =	sld [smem:$0x3FBA]  }
0x3d: {  	_ =	shalt  }
0x3e: {  	_ =	shalt  }
0x3f: {  	_ =	shalt  }
0x40: {  	_ =	shalt  }
0x41: {  	_ =	shalt  }
0x42: {  	_ =	shalt  }
0x43: {  	_ =	shalt  }
0x44: {  	_ =	shalt  }
0x45: {  	_ =	shalt  }
0x46: {  	_ =	shalt  }
0x47: {  	_ =	shalt  }
0x48: {  	_ =	shalt  }
0x49: {  	_ =	shalt  }
0x4a: {  	_ =	shalt  }
0x4b: {  	_ =	shalt  }
0x4c: {  	_ =	shalt  }
0x4d: {  	_ =	shalt  }
0x4e: {  	_ =	shalt  }
0x4f: {  	_ =	shalt  }
0x50: {  	_ =	shalt  }
0x51: {  	_ =	shalt  }
0x52: {  	_ =	shalt  }
0x53: {  	_ =	shalt  }
0x54: {  	_ =	shalt  }
0x55: {  	_ =	shalt  }
0x56: {  	_ =	shalt  }
0x57: {  	_ =	shalt  }
0x58: {  	_ =	shalt  }
0x59: {  	_ =	shalt  }
0x5a: {  	_ =	shalt  }
0x5b: {  	_ =	shalt  }
0x5c: {  	_ =	shalt  }
0x5d: {  	_ =	shalt  }
0x5e: {  	_ =	shalt  }
0x5f: {  	_ =	shalt  }
0x60: {  	_ =	shalt  }
0x61: {  	_ =	shalt  }
0x62: {  	_ =	shalt  }
0x63: {  	_ =	shalt  }
0x64: {  	_ =	shalt  }
0x65: {  	_ =	shalt  }
0x66: {  	_ =	shalt  }
0x67: {  	_ =	shalt  }
0x68: {  	_ =	shalt  }
0x69: {  	_ =	shalt  }
0x6a: {  	_ =	shalt  }
0x6b: {  	_ =	shalt  }
0x6c: {  	_ =	shalt  }
0x6d: {  	_ =	shalt  }
0x6e: {  	_ =	shalt  }
0x6f: {  	_ =	shalt  }
0x70: {  	_ =	shalt  }
0x71: {  	_ =	shalt  }
0x72: {  	_ =	shalt  }
0x73: {  	_ =	shalt  }
0x74: {  	_ =	shalt  }
0x75: {  	_ =	shalt  }
0x76: {  	_ =	shalt  }
0x77: {  	_ =	shalt  }
0x78: {  	_ =	shalt  }
0x79: {  	_ =	shalt  }
0x7a: {  	_ =	shalt  }
0x7b: {  	_ =	shalt  }
0x7c: {  	_ =	shalt  }
0x7d: {  	_ =	shalt  }
0x7e: {  	_ =	shalt  }
0x7f: {  	_ =	shalt  }
0x80: {  	_ =	shalt  }
0x81: {  	_ =	shalt  }
0x82: {  	_ =	shalt  }
0x83: {  	_ =	shalt  }
0x84: {  	_ =	shalt  }
0x85: {  	_ =	shalt  }
0x86: {  	_ =	shalt  }
0x87: {  	_ =	shalt  }
.Lfunc_end0:
.L_simem_size_0:
called_computation_lowered:
.L_overlay_start_0:
0x88: {  	s2 =	sld [smem:$0x3FD9]  }
0x89: {  	s3 =	sld [smem:$0x3FFE];
	_ =	sdelay $0x1  }
0x8a: {  	s1 =	srdreg.scid  }
0x8b: {  	s0 =	sand.u32 $0x1, s1  }
0x8c: {  	s14 =	sshll.u32 s0, $0xA;
	s2 =	sadd.s32 s3, s2  }
0x8d: {  	s2 =	sadd.s32 s2, s14  }
0x8e: {  	[smem:$0x3FC6] =	sst s2  }
0x8f: {  	_ = 	snop  }
0x90: {  	s2 =	sld [smem:$0x3FD0];
	_ =	sdelay $0x2  }
0x91: {  	s15 =	simm.s32 $0xA;
	s4 =	simm.s32 $0x10  }
0x92: {  	[smem:s4], [sflag:s15] =	dma.local [hbm:s2], $0x1  }
0x93: {  	_ =	swait.eq [sflag:s15], $0x1  }
0x94: {  	[sflag:s15] =	ssyncset.done $0x0  }
0x95: {  	[sflag:s15] =	ssyncadd.s32 $0xFFFFFFFF  }
0x96: {  	s16 =	sld [smem:$0x10];
	(tm) =	ssettm $0x1  }
0x97: {  	s17 =	sld [smem:$0x3FFB];
	_ =	sdelay $0x3  }
0x98: {  	_ =	strace s17  }
0x99: {  	s3 =	sld [smem:$0x3FFC];
	_ =	sdelay $0x3  }
0x9a: {  	_ =	strace s3  }
0x9b: {  	s3 =	sld [smem:$0x3FFD];
	_ =	sdelay $0x3  }
0x9c: {  	_ =	strace s3  }
0x9d: {  	_ =	strace $0x8FFFFFFF  }
0x9e: {  	s18 =	sld [smem:$0x3FDB];
	_ =	sdelay $0x1  }
0x9f: {  	s19 =	simm.s32 $_scs_section_size  }
0xa0: {  	s5 =	simm.s32 $_size__tile_overlayer_lowered;
	s6 =	simm.s32 $_tile_overlayer_lowered  }
0xa1: {  	s22 =	simm.s32 $0x1BFF;
	s21 =	sshll.u32 s6, $0x1;
	s3 =	sadd.s32 s19, s18  }
0xa2: {  	s7 =	simm.s32 $0x0;
	s20 =	sshll.u32 s5, $0x1;
	s5 =	sadd.s32 s21, s3  }
0xa3: {  	[timem:s7], [sflag:s22] =	dma.local [hbm:s5], s20  }
0xa4: {  	_ =	swait.ge [sflag:s22], s20  }
0xa5: {  	s4 =	ssub.s32 $0x0, s20;
	[sflag:s22] =	ssyncset.done $0x0  }
0xa6: {  	[sflag:s22] =	ssyncadd.s32 s4;
	_ =	sdelay $0x1  }
0xa7: {  	s23 =	simm.s32 $0x1B8B  }
0xa8: {  	_ =	swait.ge [sflag:s23], $0x1  }
0xa9: {  	[sflag:s23] =	ssyncset.done $0x0  }
0xaa: {  	s25 =	simm.s32 $0x1B8E;
	s24 =	sld [smem:$0x3FFE];
	[sflag:s23] =	ssyncadd.s32 $0xFFFFFFFF  }
0xab: {  	s26 =	simm.s32 $execute0_lowered;
	[smem:$0x3FD2] =	sst s25  }
0xac: {  	s5 =	sshll.u32 s26, $0x1;
	_ =	strace $0x80000046;
	[dreg:$0x1] =	wrdreg $0xFFFFFFFF  }
0xad: {  	s28 =	simm.s32 $_size_execute0_lowered;
	s3 =	sadd.s32 s3, s5;
	[dreg:$0x0] =	wrdreg $0x0  }
0xae: {  	s5 =	sshll.u32 s28, $0x1;
	[dreg:$0x2] =	wrdreg s3  }
0xaf: {  	[dreg:$0x3] =	wrdreg s5  }
0xb0: {  	[dreg:$0x4] =	wrdreg $0xC0  }
0xb1: {  	_ =	task [dreg:s7], $0x5FFFF  }
0xb2: {  	[dreg:$0x1] =	wrdreg $0xFFFFFFFF  }
0xb3: {  	[dreg:$0x0] =	wrdreg $0x60  }
0xb4: {  	[dreg:$0x2] =	wrdreg s24  }
0xb5: {  	[dreg:$0x3] =	wrdreg s16  }
0xb6: {  	[dreg:$0x4] =	wrdreg $0x9  }
0xb7: {  	_ =	task.clear_ibuf [dreg:s7], $0x5FFFF;
	_ =	strace $0x90000046  }
0xb8: {  	s29 =	simm.s32 $0x9;
	_ =	strace $0x80000048  }
0xb9: {  	_ =	swait.ge [sflag:s29], $0x1  }
0xba: {  	[sflag:s29] =	ssyncadd.s32 $0xFFFFFFFF  }
0xbb: {  	_ =	strace $0x90000048  }
0xbc: {  	_ =	sfence  }
0xbd: {  	s30 =	sld [smem:$0x0];
	_ =	sdelay $0x2  }
0xbe: {  	s31 =	sshll.u32 s1, $0xD;
	s1 =	sshrl.u32 s1, $0x2  }
0xbf: {  	s3 =	sand.u32 $0x4000, s31;
	s1 =	sadd.s32 s1, s30  }
0xc0: {  	s0 =	sor.u32 s3, s0;
	s1 =	sshll.u32 s1, $0x11  }
0xc1: {  	s0 =	sor.u32 s1, s0  }
0xc2: {  	s0 =	sadd.s32 $0x8F2B, s0  }
0xc3: {  	[sflag:s0] =	ssyncadd.remote.s32 $0x1  }
0xc4: {  	_ =	sfence.sel $0xFFFF  }
0xc5: {  	[dreg:$0x0] =	wrdreg $0xFFFFFFFF;
	(pc) =	sbr.abs _section_cstart, $3  }
0xc6: {  	[dreg:$0x1] =	wrdreg $0xFFFFFFFF  }
0xc7: {  	_ =	task.clear_ibuf [dreg:s7], $0x2FFFF;
	_ =	strace $0x9FFFFFFF  }
0xc8: {  	(tm) =	ssettm $0x7FFFFFFF  }
0xc9: {  	_ =	shalt  }
tec
execute0_lowered:
.L_overlay_start_1:
0x0: {  	(tag) =	ssettag $0x1  }
0x1: {  	s1 =	srdreg.scid;
	s4 =	rddreg [dreg:$0x0]  }
0x2: {  	s0 =	stileid.u32;
	s5 =	rddreg [dreg:$0x1]  }
0x3: {  	s2 =	simm.s32 $0x0;
	s10 =	simm.s32 $0x180;
	s11 =	simm.s32 $0x9180  }
0x4: {  	s12 =	simm.s32 $0x1;
	s3 =	sand.u32 $0x1, s1;
	s31 =	sshll.u32 s0, $0x1  }
0x5: {  	s13 =	simm.s32 $0x0;
	s1 =	rddreg [dreg:$0x2];
	s6 =	sor.u32 s3, s31  }
0x6: {  	[smem:$0x7FF] =	sst s2;
	s8 =	ssub.s32 $0x2, s3;
	s7 =	smul.u32 $0x1200, s6  }
0x7: {  	_ =	strace $0x80000047;
	s6 =	smul.u32 $0x24, s6;
	s9 =	sshrl.u32 s8, $0x1  }
0x8: {  	s3 =	sadd.s32 $0x24400, s4;
	s8 =	ssub.s32 s8, s9;
	s7 =	sadd.s32 s7, s4  }
0x9: {  	s9 =	simm.s32 $0x120;
	s4 =	sadd.s32 s5, s6;
	s5 =	sadd.s32 $0x400, s7  }
0xa: {  	s6 =	sadd.s32 $0x44400, s7;
	s7 =	smax.u32 s8, $0x1;
	s8 =	simm.s32 $0x2  }
.LBB2_1:
0xb: {  	[tilespmem:s2], [sflag:$0x2] =	stream.linear.gather [hbm4b:s4+s2], $0x120, $0x38;
	[tilespmem:$0x12180] =	vst v63  }
0xc: {  	_ =	swait.ge [sflag:s8], $0x120  }
0xd: {  	[sflag:s8] =	ssyncset.done $0x0  }
0xe: {  	[sflag:s8] =	ssyncadd.s32 $0xFFFFFEE0  }
0xf: {  	[tilespmem:s10], [sflag:$0x1] =	stream.indirect.gather [hbm4b:s3+s9], $0x80, s2, s9, $0xb8;
	[tilespmem:$0x12180] =	vst v63  }
0x10: {  	_ = 	snop  }
0x11: {  	[tilespmem:s11], [sflag:$0x2] =	stream.linear.gather [hbm4b:s5+s2], $0x9000, $0x38;
	[tilespmem:$0x12180] =	vst v63  }
0x12: {  	_ =	swait.ge [sflag:s8], $0x9000  }
0x13: {  	[sflag:s8] =	ssyncset.done $0x0  }
0x14: {  	[sflag:s8] =	ssyncadd.s32 $0xFFFF7000  }
0x15: {  	_ =	swait.ge [sflag:s12], $0x9000  }
0x16: {  	[sflag:s12] =	ssyncset.done $0x0  }
0x17: {  	s14 =	simm.s32 $0x0;
	[sflag:s12] =	ssyncadd.s32 $0xFFFF7000  }
0x18: {  	v2 =	vld [tilespmem:s14+$0x180]  }
0x19: {  	v3 =	vld [tilespmem:s14+$0x190]  }
0x1a: {  	v1 =	vld [tilespmem:s14+$0x1A0]  }
0x1b: {  	v0 =	vld [tilespmem:s14+$0x1B0]  }
0x1c: {  	v6 =	vld [tilespmem:s14+$0x9180]  }
0x1d: {  	v5 =	vld [tilespmem:s14+$0x9190]  }
0x1e: {  	s15 =	simm.s32 $0x200;
	v4 =	vld [tilespmem:s14+$0x91A0]  }
.LBB2_2:
0x1f: {  	p0 =	sne.s32 s15, $0x23E00;
	v7 =	vld [tilespmem:s14+$0x91B0];
	_ =	sdelay $0x1  }
0x20: {  	s16 =	sshra.s32 s15, $0x2;
	v8 =	vsub.f32 v2, v6  }
0x21: {  	v2 =	vld [tilespmem:s16+$0x180];
	v9 =	vsub.f32 v3, v5  }
0x22: {  	v3 =	vld [tilespmem:s16+$0x190];
	v6 =	vadd.f32 v8, v6;
	v8 =	vsub.f32 v1, v4  }
.Ltmp0:
0x23: {  	v1 =	vld [tilespmem:s16+$0x1A0];
	v5 =	vadd.f32 v9, v5;
	v9 =	vsub.f32 v0, v7;
	(pc) =	sbr.rel @p0 .LBB2_2-.Ltmp0, $4  }
0x24: {  	v0 =	vld [tilespmem:s16+$0x1B0];
	[tilespmem:s14+$0x9180] =	vst v6;
	v4 =	vadd.f32 v8, v4  }
0x25: {  	v6 =	vld [tilespmem:s16+$0x9180];
	[tilespmem:s14+$0x9190] =	vst v5;
	v7 =	vadd.f32 v9, v7  }
0x26: {  	v5 =	vld [tilespmem:s16+$0x9190];
	[tilespmem:s14+$0x91A0] =	vst v4  }
0x27: {  	s15 =	sadd.s32 $0x200, s15;
	v4 =	vld [tilespmem:s16+$0x91A0];
	[tilespmem:s14+$0x91B0] =	vst v7;
	s14 =	smov.u32 s16  }
0x28: {  	v7 =	vld [tilespmem:s14+$0x91B0];
	_ =	sdelay $0x1  }
0x29: {  	v2 =	vsub.f32 v2, v6  }
0x2a: {  	v3 =	vsub.f32 v3, v5  }
0x2b: {  	v2 =	vadd.f32 v2, v6;
	v1 =	vsub.f32 v1, v4  }
0x2c: {  	v3 =	vadd.f32 v3, v5;
	v0 =	vsub.f32 v0, v7  }
0x2d: {  	[tilespmem:s14+$0x9180] =	vst v2;
	v1 =	vadd.f32 v1, v4  }
0x2e: {  	s13 =	sadd.s32 $0x1, s13;
	[tilespmem:s14+$0x9190] =	vst v3;
	v0 =	vadd.f32 v0, v7  }
0x2f: {  	p0 =	sne.s32 s13, s7;
	[tilespmem:s14+$0x91A0] =	vst v1  }
.Ltmp1:
0x30: {  	[tilespmem:s14+$0x91B0] =	vst v0;
	(pc) =	sbr.rel @p0 .LBB2_1-.Ltmp1, $4  }
0x31: {  	[hbm4b:s6+s2] =	stream.linear.scatter [tilespmem:s11], [sflag:$0x2], $0x9000, $0x38;
	[tilespmem:$0x12180] =	vst v63  }
0x32: {  	_ =	swait.ge [sflag:s8], $0x9000  }
0x33: {  	[sflag:s8] =	ssyncset.done $0x0  }
0x34: {  	[sflag:s8] =	ssyncadd.s32 $0xFFFF7000  }
0x35: {  	_ =	sfence.sel $0x180000  }
0x36: {  	[bflag:$0x0] =	sbarrier.arrive $0xFFFF  }
0x37: {  	p0 =	sne.s32 s0, $0x0;
	_ =	strace $0x90000047  }
0x38: {  	s0 =	sadd.s32 @!p0 $0x100000, s1;
	[bflag:$0x2] =	sbarrier.arrive $0xFFFF  }
0x39: {  	[sflag:s0] =	ssyncadd.tile.s32 @!p0 $0x1;
	_ =	shalt  }
.Lfunc_end2:
_tile_overlayer_lowered:
.L_overlay_start_2:
0x3a: {  	(tag) =	ssettag $0x2  }
0x3b: {  	s0 =	rddreg [dreg:$0x0];
	s2 =	stileid.u32  }
0x3c: {  	s1 =	rddreg [dreg:$0x1];
	p0 =	sne.s32 s2, $0x0  }
0x3d: {  	s3 =	rddreg [dreg:$0x2];
	[bflag:$0x3] =	sbarrier.arrive $0xFFFF;
	s2 =	simm.s32 @!p0 $0x1C02  }
0x3e: {  	[timem:s3], [sflag:s2] =	dma.local @!p0 [hbm:s0], s1  }
0x3f: {  	s0 =	simm.s32 @!p0 $0x2  }
0x40: {  	_ =	swait.ge @!p0 [sflag:s0], s1  }
0x41: {  	s1 =	ssub.s32 @!p0 $0x0, s1;
	[sflag:s0] =	ssyncset.done @!p0 $0x0  }
0x42: {  	[sflag:s0] =	ssyncadd.s32 @!p0 s1  }
0x43: {  	[bflag:$0x3] =	sbarrier.arrive $0xFFFF  }
0x44: {  	_ =	shalt  }

</sc_bundles>
